<compile_context>
chip_gen: v7x
topology: tpu7x:2x2x1
jax: 0.10.2.dev20260603
libtpu: 0.0.44.dev20260713+nightly
codegen_flags: <defaults>
</compile_context>

<pallas_src>
import jax
import jax.numpy as jnp
from jax.experimental import pallas as pl
from jax.experimental.pallas import tpu as pltpu
from jax.experimental.pallas import tpu_sc as plsc

_B = 16
_N = 8192
_K_NOR = 5
_K_ABN = 10
_K_HARD = 10
_K_TOT = _K_NOR + _K_ABN + _K_HARD
_W = 16
_N_GATHER = 512


def _topk_body(s_ref, idx_ref, val_ref, frow_ref):
    s = s_ref[...]
    iota = jax.lax.broadcasted_iota(jnp.int32, s.shape, 1)
    neg = jnp.float32(-3.0e38)

    def take_topk(z, k, collect_from=None):
        idx_cols, val_cols = [], []
        for _ in range(k):
            m = jnp.max(z, axis=1, keepdims=True)
            sel_any = z == m
            idx = jnp.min(jnp.where(sel_any, iota, jnp.int32(_N)),
                          axis=1, keepdims=True)
            sel = iota == idx
            if collect_from is None:
                v = m
            else:
                v = jnp.sum(jnp.where(sel, collect_from, jnp.float32(0.0)),
                            axis=1, keepdims=True)
            z = jnp.where(sel, neg, z)
            idx_cols.append(idx)
            val_cols.append(v)
        return idx_cols, val_cols

    i_nor, v_nor = take_topk(-s, _K_NOR)
    i_abn, v_abn = take_topk(s, _K_ABN)
    i_hard, v_hard = take_topk(-jnp.abs(s - 0.5), _K_HARD, collect_from=s)
    v_nor = [-v for v in v_nor]

    idx_all = jnp.concatenate(i_nor + i_abn + i_hard, axis=1)
    val_all = jnp.concatenate(v_nor + v_abn + v_hard, axis=1)
    pad_i = jnp.zeros((_B, 128 - _K_TOT), jnp.int32)
    pad_v = jnp.zeros((_B, 128 - _K_TOT), jnp.float32)
    idx_ref[...] = jnp.concatenate([idx_all, pad_i], axis=1)
    val_ref[...] = jnp.concatenate([val_all, pad_v], axis=1)

    base = jax.lax.broadcasted_iota(jnp.int32, (_B, 1), 0) * _N
    zc = jnp.zeros((_B, 1), jnp.int32)
    row_a = jnp.concatenate(
        [c + base for c in (i_nor + i_abn)] + [zc] * (128 - 15), axis=1)
    row_b = jnp.concatenate(
        [c + base for c in i_hard] + [zc] * (128 - 10), axis=1)
    frow_ref[...] = jnp.concatenate([row_a, row_b], axis=0)


def _run_topk(score):
    return pl.pallas_call(
        _topk_body,
        out_shape=[jax.ShapeDtypeStruct((_B, 128), jnp.int32),
                   jax.ShapeDtypeStruct((_B, 128), jnp.float32),
                   jax.ShapeDtypeStruct((32, 128), jnp.int32)],
    )(score)


def _sc_gather(feat2d, idx_rows):
    f_dim = feat2d.shape[1]
    mesh = plsc.VectorSubcoreMesh(core_axis_name="core",
                                  subcore_axis_name="subcore",
                                  num_cores=1, num_subcores=16)

    @pl.kernel(out_type=jax.ShapeDtypeStruct((_N_GATHER, f_dim),
                                             feat2d.dtype),
               mesh=mesh,
               scratch_types=[pltpu.VMEM((128,), jnp.int32),
                              pltpu.VMEM((128,), jnp.int32),
                              pltpu.VMEM((8, 1024), jnp.float32),
                              pltpu.VMEM((8, 1024), jnp.float32),
                              pltpu.VMEM((8, 1024), jnp.float32),
                              pltpu.VMEM((8, 1024), jnp.float32),
                              pltpu.SemaphoreType.DMA,
                              pltpu.SemaphoreType.DMA,
                              pltpu.SemaphoreType.DMA,
                              pltpu.SemaphoreType.DMA,
                              pltpu.SemaphoreType.DMA,
                              pltpu.SemaphoreType.DMA])
    def knl(x_hbm, i_hbm, o_hbm, idx_a, idx_b, buf_a, buf_b, buf_c,
            buf_d, semi1, semi2, sem1, sem2, sem3, sem4):
        s = jax.lax.axis_index("subcore")
        r0 = 2 * s
        r1 = 2 * s + 1
        cpi_a = pltpu.async_copy(i_hbm.at[r0], idx_a, semi1)
        cpi_b = pltpu.async_copy(i_hbm.at[r1], idx_b, semi2)
        cpi_a.wait()
        cg1 = pltpu.async_copy(x_hbm.at[idx_a.at[pl.ds(0, 8)]], buf_a,
                               sem1)
        cg2 = pltpu.async_copy(x_hbm.at[idx_a.at[pl.ds(8, 8)]], buf_b,
                               sem2)
        cpi_b.wait()
        cg3 = pltpu.async_copy(x_hbm.at[idx_b.at[pl.ds(0, 8)]], buf_c,
                               sem3)
        cg4 = pltpu.async_copy(x_hbm.at[idx_b.at[pl.ds(8, 8)]], buf_d,
                               sem4)
        cg1.wait()
        cp1 = pltpu.async_copy(buf_a, o_hbm.at[pl.ds(r0 * _W, 8)], sem1)
        cg2.wait()
        cp2 = pltpu.async_copy(buf_b, o_hbm.at[pl.ds(r0 * _W + 8, 8)],
                               sem2)
        cg3.wait()
        cp3 = pltpu.async_copy(buf_c, o_hbm.at[pl.ds(r1 * _W, 8)], sem3)
        cg4.wait()
        cp4 = pltpu.async_copy(buf_d, o_hbm.at[pl.ds(r1 * _W + 8, 8)],
                               sem4)
        cp1.wait()
        cp2.wait()
        cp3.wait()
        cp4.wait()

    return knl(feat2d, idx_rows)


def kernel(feat, score):
    b, n, f_dim = feat.shape
    out_i, out_v, idx_rows = _run_topk(score)

    idx_nor = out_i[:, 0:_K_NOR]
    val_nor = out_v[:, 0:_K_NOR]
    val_abn = out_v[:, _K_NOR:_K_NOR + _K_ABN]
    idx_hard = out_i[:, _K_NOR + _K_ABN:_K_TOT]
    val_hard = out_v[:, _K_NOR + _K_ABN:_K_TOT]

    g = _sc_gather(feat.reshape(b * n, f_dim), idx_rows)
    g1 = g[:b * _W].reshape(b, _W, f_dim)
    g2 = g[b * _W:].reshape(b, _W, f_dim)

    feat_nor = g1[:, 0:_K_NOR]
    feat_abn = g1[:, _K_NOR:_K_NOR + _K_ABN]
    feat_hard = g2[:, 0:_K_HARD]

    return (feat_nor, val_nor, idx_nor,
            feat_abn, val_abn,
            feat_hard, val_hard, idx_hard)

# --- scband reference (transcript-rebuilt; emitter-appended) ---
"""Pipeline reference for scband-sample-generator-48017734369828 (READ-ONLY COPY).

The authoritative reference and input builder live on the scoring server;
editing this copy changes nothing except your own understanding.
"""

import jax, jax.numpy as jnp
import numpy as np


def setup_inputs(seed: int = 0) -> dict:
    key = jax.random.key(seed)
    k1, k2 = jax.random.split(key)
    feat = jax.random.normal(k1, (16, 8192, 1024), dtype=jnp.float32)
    score = jax.random.uniform(k2, (16, 8192), dtype=jnp.float32)
    return {"feat": feat, "score": score}


def reference(feat, score):
    # type='Abnormal' branch (the default in the torch module)
    F_len = feat.shape[2]
    hard_topK = 10
    conf_nor_topK = 5
    conf_abn_topK = 10

    # torch.topk(|score - 0.5|, k, largest=False) -> k smallest |score-0.5|
    _, idx_hard = jax.lax.top_k(-jnp.abs(score - 0.5), hard_topK)
    # torch.topk(score, k, largest=False) -> k smallest scores
    _, idx_conf_nor = jax.lax.top_k(-score, conf_nor_topK)
    # torch.topk(score, k, largest=True) -> k largest scores
    _, idx_conf_abn = jax.lax.top_k(score, conf_abn_topK)

    def gather_feat(idx):
        # torch.gather(feat, 1, idx.unsqueeze(2).expand([-1,-1,F_len]))
        return jnp.take_along_axis(feat, idx[:, :, None], axis=1)

    def gather_score(idx):
        return jnp.take_along_axis(score, idx, axis=1)

    feat_conf_nor = gather_feat(idx_conf_nor)
    score_conf_nor = gather_score(idx_conf_nor)
    feat_conf_abn = gather_feat(idx_conf_abn)
    score_conf_abn = gather_score(idx_conf_abn)
    feat_hard = gather_feat(idx_hard)
    score_hard = gather_score(idx_hard)

    return (feat_conf_nor, score_conf_nor, idx_conf_nor,
            feat_conf_abn, score_conf_abn,
            feat_hard, score_hard, idx_hard)

if __name__ == "__main__":
    import jax
    _d = setup_inputs()
    print(jax.jit(kernel)(*tuple(_d.values())))

</pallas_src>

<mosaic_0001>
#map = affine_map<(d0, d1) -> (0, 0)>
module attributes {stable_mosaic.version = 14 : i64} {
  func.func @knl(%arg0: i32, %arg1: i32, %arg2: memref<131072x1024xf32, #tpu.memory_space<hbm>>, %arg3: memref<32x128xi32, #tpu.memory_space<hbm>>, %arg4: memref<512x1024xf32, #tpu.memory_space<hbm>>, %arg5: memref<128xi32, #tpu.memory_space<vmem>>, %arg6: memref<128xi32, #tpu.memory_space<vmem>>, %arg7: memref<8x1024xf32, #tpu.memory_space<vmem>>, %arg8: memref<8x1024xf32, #tpu.memory_space<vmem>>, %arg9: memref<8x1024xf32, #tpu.memory_space<vmem>>, %arg10: memref<8x1024xf32, #tpu.memory_space<vmem>>, %arg11: memref<!tpu.dma_semaphore, #tpu.memory_space<semaphore_mem>>, %arg12: memref<!tpu.dma_semaphore, #tpu.memory_space<semaphore_mem>>, %arg13: memref<!tpu.dma_semaphore, #tpu.memory_space<semaphore_mem>>, %arg14: memref<!tpu.dma_semaphore, #tpu.memory_space<semaphore_mem>>, %arg15: memref<!tpu.dma_semaphore, #tpu.memory_space<semaphore_mem>>, %arg16: memref<!tpu.dma_semaphore, #tpu.memory_space<semaphore_mem>>) attributes {dimension_semantics = [#tpu.dimension_semantics<core_parallel>, #tpu.dimension_semantics<subcore_parallel>], iteration_bounds = array<i64: 1, 16>, scalar_prefetch = 0 : i64, scratch_operands = 12 : i64, tpu.core_type = #tpu.core_type<sc_vector_subcore>, window_params = [{transform_indices = #map}, {transform_indices = #map}, {transform_indices = #map}]} {
    %mul3A = arith.constant 2 : i32
    %mul3A_0 = arith.muli %mul3A, %arg1 : i32
    %mul3A_1 = arith.constant 2 : i32
    %mul3A_2 = arith.muli %mul3A_1, %arg1 : i32
    %add3A = arith.constant 1 : i32
    %add3A_3 = arith.addi %mul3A_2, %add3A : i32
    %dma_start3A = arith.constant 0 : i32
    %dma_start3A_4 = tpu.memref_slice %arg3[%mul3A_0, %dma_start3A] : memref<32x128xi32, #tpu.memory_space<hbm>> -> memref<1x128xi32, #tpu.memory_space<hbm>>
    %dma_start3A_5 = tpu.memref_squeeze %dma_start3A_4 : memref<1x128xi32, #tpu.memory_space<hbm>> -> memref<128xi32, #tpu.memory_space<hbm>>
    %dma_start3A_6 = arith.constant 0 : i32
    %dma_start3A_7 = tpu.memref_slice %arg3[%mul3A_0, %dma_start3A_6] : memref<32x128xi32, #tpu.memory_space<hbm>> -> memref<1x128xi32, #tpu.memory_space<hbm>>
    %dma_start3A_8 = tpu.memref_squeeze %dma_start3A_7 : memref<1x128xi32, #tpu.memory_space<hbm>> -> memref<128xi32, #tpu.memory_space<hbm>>
    tpu.enqueue_dma source(%dma_start3A_8 : memref<128xi32, #tpu.memory_space<hbm>>) target(%arg5 : memref<128xi32, #tpu.memory_space<vmem>>) target_semaphore(%arg11 : memref<!tpu.dma_semaphore, #tpu.memory_space<semaphore_mem>>)
    %dma_start3A_9 = arith.constant 0 : i32
    %dma_start3A_10 = tpu.memref_slice %arg3[%add3A_3, %dma_start3A_9] : memref<32x128xi32, #tpu.memory_space<hbm>> -> memref<1x128xi32, #tpu.memory_space<hbm>>
    %dma_start3A_11 = tpu.memref_squeeze %dma_start3A_10 : memref<1x128xi32, #tpu.memory_space<hbm>> -> memref<128xi32, #tpu.memory_space<hbm>>
    %dma_start3A_12 = arith.constant 0 : i32
    %dma_start3A_13 = tpu.memref_slice %arg3[%add3A_3, %dma_start3A_12] : memref<32x128xi32, #tpu.memory_space<hbm>> -> memref<1x128xi32, #tpu.memory_space<hbm>>
    %dma_start3A_14 = tpu.memref_squeeze %dma_start3A_13 : memref<1x128xi32, #tpu.memory_space<hbm>> -> memref<128xi32, #tpu.memory_space<hbm>>
    tpu.enqueue_dma source(%dma_start3A_14 : memref<128xi32, #tpu.memory_space<hbm>>) target(%arg6 : memref<128xi32, #tpu.memory_space<vmem>>) target_semaphore(%arg12 : memref<!tpu.dma_semaphore, #tpu.memory_space<semaphore_mem>>)
    %dma_wait3A = arith.constant 0 : i32
    %dma_wait3A_15 = tpu.memref_slice %arg3[%mul3A_0, %dma_wait3A] : memref<32x128xi32, #tpu.memory_space<hbm>> -> memref<1x128xi32, #tpu.memory_space<hbm>>
    %dma_wait3A_16 = tpu.memref_squeeze %dma_wait3A_15 : memref<1x128xi32, #tpu.memory_space<hbm>> -> memref<128xi32, #tpu.memory_space<hbm>>
    %dma_wait3A_17 = arith.constant 0 : i32
    %dma_wait3A_18 = tpu.memref_slice %arg3[%mul3A_0, %dma_wait3A_17] : memref<32x128xi32, #tpu.memory_space<hbm>> -> memref<1x128xi32, #tpu.memory_space<hbm>>
    %dma_wait3A_19 = tpu.memref_squeeze %dma_wait3A_18 : memref<1x128xi32, #tpu.memory_space<hbm>> -> memref<128xi32, #tpu.memory_space<hbm>>
    tpu.wait_dma2 semaphore(%arg11 : memref<!tpu.dma_semaphore, #tpu.memory_space<semaphore_mem>>) src(%dma_wait3A_19 : memref<128xi32, #tpu.memory_space<hbm>>) dst(%arg5 : memref<128xi32, #tpu.memory_space<vmem>>)
    %dma_start3A_20 = arith.constant 0 : i32
    %dma_start3A_21 = tpu.memref_slice %arg5[%dma_start3A_20] : memref<128xi32, #tpu.memory_space<vmem>> -> memref<8xi32, #tpu.memory_space<vmem>>
    %dma_start3A_22 = arith.constant 0 : i32
    %dma_start3A_23 = arith.constant 0 : i32
    %dma_start3A_24 = tpu.memref_slice %arg2[%dma_start3A_22, %dma_start3A_23] : memref<131072x1024xf32, #tpu.memory_space<hbm>> -> memref<131072x1024xf32, #tpu.memory_space<hbm>>
    tpu.enqueue_indirect_dma source(%dma_start3A_24 : memref<131072x1024xf32, #tpu.memory_space<hbm>>) target(%arg7 : memref<8x1024xf32, #tpu.memory_space<vmem>>) offsets(%dma_start3A_21 : memref<8xi32, #tpu.memory_space<vmem>>) semaphore(%arg13 : memref<!tpu.dma_semaphore, #tpu.memory_space<semaphore_mem>>)
    %dma_start3A_25 = arith.constant 8 : i32
    %dma_start3A_26 = tpu.memref_slice %arg5[%dma_start3A_25] : memref<128xi32, #tpu.memory_space<vmem>> -> memref<8xi32, #tpu.memory_space<vmem>>
    %dma_start3A_27 = arith.constant 0 : i32
    %dma_start3A_28 = arith.constant 0 : i32
    %dma_start3A_29 = tpu.memref_slice %arg2[%dma_start3A_27, %dma_start3A_28] : memref<131072x1024xf32, #tpu.memory_space<hbm>> -> memref<131072x1024xf32, #tpu.memory_space<hbm>>
    tpu.enqueue_indirect_dma source(%dma_start3A_29 : memref<131072x1024xf32, #tpu.memory_space<hbm>>) target(%arg8 : memref<8x1024xf32, #tpu.memory_space<vmem>>) offsets(%dma_start3A_26 : memref<8xi32, #tpu.memory_space<vmem>>) semaphore(%arg14 : memref<!tpu.dma_semaphore, #tpu.memory_space<semaphore_mem>>)
    %dma_wait3A_30 = arith.constant 0 : i32
    %dma_wait3A_31 = tpu.memref_slice %arg3[%add3A_3, %dma_wait3A_30] : memref<32x128xi32, #tpu.memory_space<hbm>> -> memref<1x128xi32, #tpu.memory_space<hbm>>
    %dma_wait3A_32 = tpu.memref_squeeze %dma_wait3A_31 : memref<1x128xi32, #tpu.memory_space<hbm>> -> memref<128xi32, #tpu.memory_space<hbm>>
    %dma_wait3A_33 = arith.constant 0 : i32
    %dma_wait3A_34 = tpu.memref_slice %arg3[%add3A_3, %dma_wait3A_33] : memref<32x128xi32, #tpu.memory_space<hbm>> -> memref<1x128xi32, #tpu.memory_space<hbm>>
    %dma_wait3A_35 = tpu.memref_squeeze %dma_wait3A_34 : memref<1x128xi32, #tpu.memory_space<hbm>> -> memref<128xi32, #tpu.memory_space<hbm>>
    tpu.wait_dma2 semaphore(%arg12 : memref<!tpu.dma_semaphore, #tpu.memory_space<semaphore_mem>>) src(%dma_wait3A_35 : memref<128xi32, #tpu.memory_space<hbm>>) dst(%arg6 : memref<128xi32, #tpu.memory_space<vmem>>)
    %dma_start3A_36 = arith.constant 0 : i32
    %dma_start3A_37 = tpu.memref_slice %arg6[%dma_start3A_36] : memref<128xi32, #tpu.memory_space<vmem>> -> memref<8xi32, #tpu.memory_space<vmem>>
    %dma_start3A_38 = arith.constant 0 : i32
    %dma_start3A_39 = arith.constant 0 : i32
    %dma_start3A_40 = tpu.memref_slice %arg2[%dma_start3A_38, %dma_start3A_39] : memref<131072x1024xf32, #tpu.memory_space<hbm>> -> memref<131072x1024xf32, #tpu.memory_space<hbm>>
    tpu.enqueue_indirect_dma source(%dma_start3A_40 : memref<131072x1024xf32, #tpu.memory_space<hbm>>) target(%arg9 : memref<8x1024xf32, #tpu.memory_space<vmem>>) offsets(%dma_start3A_37 : memref<8xi32, #tpu.memory_space<vmem>>) semaphore(%arg15 : memref<!tpu.dma_semaphore, #tpu.memory_space<semaphore_mem>>)
    %dma_start3A_41 = arith.constant 8 : i32
    %dma_start3A_42 = tpu.memref_slice %arg6[%dma_start3A_41] : memref<128xi32, #tpu.memory_space<vmem>> -> memref<8xi32, #tpu.memory_space<vmem>>
    %dma_start3A_43 = arith.constant 0 : i32
    %dma_start3A_44 = arith.constant 0 : i32
    %dma_start3A_45 = tpu.memref_slice %arg2[%dma_start3A_43, %dma_start3A_44] : memref<131072x1024xf32, #tpu.memory_space<hbm>> -> memref<131072x1024xf32, #tpu.memory_space<hbm>>
    tpu.enqueue_indirect_dma source(%dma_start3A_45 : memref<131072x1024xf32, #tpu.memory_space<hbm>>) target(%arg10 : memref<8x1024xf32, #tpu.memory_space<vmem>>) offsets(%dma_start3A_42 : memref<8xi32, #tpu.memory_space<vmem>>) semaphore(%arg16 : memref<!tpu.dma_semaphore, #tpu.memory_space<semaphore_mem>>)
    %dma_wait3A_46 = arith.constant 0 : i32
    %dma_wait3A_47 = tpu.memref_slice %arg5[%dma_wait3A_46] : memref<128xi32, #tpu.memory_space<vmem>> -> memref<8xi32, #tpu.memory_space<vmem>>
    %dma_wait3A_48 = arith.constant 0 : i32
    %dma_wait3A_49 = arith.constant 0 : i32
    %dma_wait3A_50 = tpu.memref_slice %arg2[%dma_wait3A_48, %dma_wait3A_49] : memref<131072x1024xf32, #tpu.memory_space<hbm>> -> memref<131072x1024xf32, #tpu.memory_space<hbm>>
    tpu.wait_indirect_dma semaphore(%arg13 : memref<!tpu.dma_semaphore, #tpu.memory_space<semaphore_mem>>) src(%dma_wait3A_50 : memref<131072x1024xf32, #tpu.memory_space<hbm>>) dst(%arg7 : memref<8x1024xf32, #tpu.memory_space<vmem>>)
    %mul3A_51 = arith.constant 16 : i32
    %mul3A_52 = arith.muli %mul3A_0, %mul3A_51 : i32
    %dma_start3A_53 = arith.constant 0 : i32
    %dma_start3A_54 = tpu.memref_slice %arg4[%mul3A_52, %dma_start3A_53] : memref<512x1024xf32, #tpu.memory_space<hbm>> -> memref<8x1024xf32, #tpu.memory_space<hbm>>
    %dma_start3A_55 = arith.constant 0 : i32
    %dma_start3A_56 = tpu.memref_slice %arg4[%mul3A_52, %dma_start3A_55] : memref<512x1024xf32, #tpu.memory_space<hbm>> -> memref<8x1024xf32, #tpu.memory_space<hbm>>
    tpu.enqueue_dma source(%arg7 : memref<8x1024xf32, #tpu.memory_space<vmem>>) target(%dma_start3A_56 : memref<8x1024xf32, #tpu.memory_space<hbm>>) target_semaphore(%arg13 : memref<!tpu.dma_semaphore, #tpu.memory_space<semaphore_mem>>)
    %dma_wait3A_57 = arith.constant 8 : i32
    %dma_wait3A_58 = tpu.memref_slice %arg5[%dma_wait3A_57] : memref<128xi32, #tpu.memory_space<vmem>> -> memref<8xi32, #tpu.memory_space<vmem>>
    %dma_wait3A_59 = arith.constant 0 : i32
    %dma_wait3A_60 = arith.constant 0 : i32
    %dma_wait3A_61 = tpu.memref_slice %arg2[%dma_wait3A_59, %dma_wait3A_60] : memref<131072x1024xf32, #tpu.memory_space<hbm>> -> memref<131072x1024xf32, #tpu.memory_space<hbm>>
    tpu.wait_indirect_dma semaphore(%arg14 : memref<!tpu.dma_semaphore, #tpu.memory_space<semaphore_mem>>) src(%dma_wait3A_61 : memref<131072x1024xf32, #tpu.memory_space<hbm>>) dst(%arg8 : memref<8x1024xf32, #tpu.memory_space<vmem>>)
    %mul3A_62 = arith.constant 16 : i32
    %mul3A_63 = arith.muli %mul3A_0, %mul3A_62 : i32
    %add3A_64 = arith.constant 8 : i32
    %add3A_65 = arith.addi %mul3A_63, %add3A_64 : i32
    %dma_start3A_66 = arith.constant 0 : i32
    %dma_start3A_67 = tpu.memref_slice %arg4[%add3A_65, %dma_start3A_66] : memref<512x1024xf32, #tpu.memory_space<hbm>> -> memref<8x1024xf32, #tpu.memory_space<hbm>>
    %dma_start3A_68 = arith.constant 0 : i32
    %dma_start3A_69 = tpu.memref_slice %arg4[%add3A_65, %dma_start3A_68] : memref<512x1024xf32, #tpu.memory_space<hbm>> -> memref<8x1024xf32, #tpu.memory_space<hbm>>
    tpu.enqueue_dma source(%arg8 : memref<8x1024xf32, #tpu.memory_space<vmem>>) target(%dma_start3A_69 : memref<8x1024xf32, #tpu.memory_space<hbm>>) target_semaphore(%arg14 : memref<!tpu.dma_semaphore, #tpu.memory_space<semaphore_mem>>)
    %dma_wait3A_70 = arith.constant 0 : i32
    %dma_wait3A_71 = tpu.memref_slice %arg6[%dma_wait3A_70] : memref<128xi32, #tpu.memory_space<vmem>> -> memref<8xi32, #tpu.memory_space<vmem>>
    %dma_wait3A_72 = arith.constant 0 : i32
    %dma_wait3A_73 = arith.constant 0 : i32
    %dma_wait3A_74 = tpu.memref_slice %arg2[%dma_wait3A_72, %dma_wait3A_73] : memref<131072x1024xf32, #tpu.memory_space<hbm>> -> memref<131072x1024xf32, #tpu.memory_space<hbm>>
    tpu.wait_indirect_dma semaphore(%arg15 : memref<!tpu.dma_semaphore, #tpu.memory_space<semaphore_mem>>) src(%dma_wait3A_74 : memref<131072x1024xf32, #tpu.memory_space<hbm>>) dst(%arg9 : memref<8x1024xf32, #tpu.memory_space<vmem>>)
    %mul3A_75 = arith.constant 16 : i32
    %mul3A_76 = arith.muli %add3A_3, %mul3A_75 : i32
    %dma_start3A_77 = arith.constant 0 : i32
    %dma_start3A_78 = tpu.memref_slice %arg4[%mul3A_76, %dma_start3A_77] : memref<512x1024xf32, #tpu.memory_space<hbm>> -> memref<8x1024xf32, #tpu.memory_space<hbm>>
    %dma_start3A_79 = arith.constant 0 : i32
    %dma_start3A_80 = tpu.memref_slice %arg4[%mul3A_76, %dma_start3A_79] : memref<512x1024xf32, #tpu.memory_space<hbm>> -> memref<8x1024xf32, #tpu.memory_space<hbm>>
    tpu.enqueue_dma source(%arg9 : memref<8x1024xf32, #tpu.memory_space<vmem>>) target(%dma_start3A_80 : memref<8x1024xf32, #tpu.memory_space<hbm>>) target_semaphore(%arg15 : memref<!tpu.dma_semaphore, #tpu.memory_space<semaphore_mem>>)
    %dma_wait3A_81 = arith.constant 8 : i32
    %dma_wait3A_82 = tpu.memref_slice %arg6[%dma_wait3A_81] : memref<128xi32, #tpu.memory_space<vmem>> -> memref<8xi32, #tpu.memory_space<vmem>>
    %dma_wait3A_83 = arith.constant 0 : i32
    %dma_wait3A_84 = arith.constant 0 : i32
    %dma_wait3A_85 = tpu.memref_slice %arg2[%dma_wait3A_83, %dma_wait3A_84] : memref<131072x1024xf32, #tpu.memory_space<hbm>> -> memref<131072x1024xf32, #tpu.memory_space<hbm>>
    tpu.wait_indirect_dma semaphore(%arg16 : memref<!tpu.dma_semaphore, #tpu.memory_space<semaphore_mem>>) src(%dma_wait3A_85 : memref<131072x1024xf32, #tpu.memory_space<hbm>>) dst(%arg10 : memref<8x1024xf32, #tpu.memory_space<vmem>>)
    %mul3A_86 = arith.constant 16 : i32
    %mul3A_87 = arith.muli %add3A_3, %mul3A_86 : i32
    %add3A_88 = arith.constant 8 : i32
    %add3A_89 = arith.addi %mul3A_87, %add3A_88 : i32
    %dma_start3A_90 = arith.constant 0 : i32
    %dma_start3A_91 = tpu.memref_slice %arg4[%add3A_89, %dma_start3A_90] : memref<512x1024xf32, #tpu.memory_space<hbm>> -> memref<8x1024xf32, #tpu.memory_space<hbm>>
    %dma_start3A_92 = arith.constant 0 : i32
    %dma_start3A_93 = tpu.memref_slice %arg4[%add3A_89, %dma_start3A_92] : memref<512x1024xf32, #tpu.memory_space<hbm>> -> memref<8x1024xf32, #tpu.memory_space<hbm>>
    tpu.enqueue_dma source(%arg10 : memref<8x1024xf32, #tpu.memory_space<vmem>>) target(%dma_start3A_93 : memref<8x1024xf32, #tpu.memory_space<hbm>>) target_semaphore(%arg16 : memref<!tpu.dma_semaphore, #tpu.memory_space<semaphore_mem>>)
    %dma_wait3A_94 = arith.constant 0 : i32
    %dma_wait3A_95 = tpu.memref_slice %arg4[%mul3A_52, %dma_wait3A_94] : memref<512x1024xf32, #tpu.memory_space<hbm>> -> memref<8x1024xf32, #tpu.memory_space<hbm>>
    %dma_wait3A_96 = arith.constant 0 : i32
    %dma_wait3A_97 = tpu.memref_slice %arg4[%mul3A_52, %dma_wait3A_96] : memref<512x1024xf32, #tpu.memory_space<hbm>> -> memref<8x1024xf32, #tpu.memory_space<hbm>>
    tpu.wait_dma2 semaphore(%arg13 : memref<!tpu.dma_semaphore, #tpu.memory_space<semaphore_mem>>) src(%arg7 : memref<8x1024xf32, #tpu.memory_space<vmem>>) dst(%dma_wait3A_97 : memref<8x1024xf32, #tpu.memory_space<hbm>>)
    %dma_wait3A_98 = arith.constant 0 : i32
    %dma_wait3A_99 = tpu.memref_slice %arg4[%add3A_65, %dma_wait3A_98] : memref<512x1024xf32, #tpu.memory_space<hbm>> -> memref<8x1024xf32, #tpu.memory_space<hbm>>
    %dma_wait3A_100 = arith.constant 0 : i32
    %dma_wait3A_101 = tpu.memref_slice %arg4[%add3A_65, %dma_wait3A_100] : memref<512x1024xf32, #tpu.memory_space<hbm>> -> memref<8x1024xf32, #tpu.memory_space<hbm>>
    tpu.wait_dma2 semaphore(%arg14 : memref<!tpu.dma_semaphore, #tpu.memory_space<semaphore_mem>>) src(%arg8 : memref<8x1024xf32, #tpu.memory_space<vmem>>) dst(%dma_wait3A_101 : memref<8x1024xf32, #tpu.memory_space<hbm>>)
    %dma_wait3A_102 = arith.constant 0 : i32
    %dma_wait3A_103 = tpu.memref_slice %arg4[%mul3A_76, %dma_wait3A_102] : memref<512x1024xf32, #tpu.memory_space<hbm>> -> memref<8x1024xf32, #tpu.memory_space<hbm>>
    %dma_wait3A_104 = arith.constant 0 : i32
    %dma_wait3A_105 = tpu.memref_slice %arg4[%mul3A_76, %dma_wait3A_104] : memref<512x1024xf32, #tpu.memory_space<hbm>> -> memref<8x1024xf32, #tpu.memory_space<hbm>>
    tpu.wait_dma2 semaphore(%arg15 : memref<!tpu.dma_semaphore, #tpu.memory_space<semaphore_mem>>) src(%arg9 : memref<8x1024xf32, #tpu.memory_space<vmem>>) dst(%dma_wait3A_105 : memref<8x1024xf32, #tpu.memory_space<hbm>>)
    %dma_wait3A_106 = arith.constant 0 : i32
    %dma_wait3A_107 = tpu.memref_slice %arg4[%add3A_89, %dma_wait3A_106] : memref<512x1024xf32, #tpu.memory_space<hbm>> -> memref<8x1024xf32, #tpu.memory_space<hbm>>
    %dma_wait3A_108 = arith.constant 0 : i32
    %dma_wait3A_109 = tpu.memref_slice %arg4[%add3A_89, %dma_wait3A_108] : memref<512x1024xf32, #tpu.memory_space<hbm>> -> memref<8x1024xf32, #tpu.memory_space<hbm>>
    tpu.wait_dma2 semaphore(%arg16 : memref<!tpu.dma_semaphore, #tpu.memory_space<semaphore_mem>>) src(%arg10 : memref<8x1024xf32, #tpu.memory_space<vmem>>) dst(%dma_wait3A_109 : memref<8x1024xf32, #tpu.memory_space<hbm>>)
    return
  }
}

module attributes {stable_mosaic.version = 14 : i64} {
  func.func @_topk_body(%arg0: memref<16x8192xf32, #tpu.memory_space<vmem>>, %arg1: memref<16x128xi32, #tpu.memory_space<vmem>>, %arg2: memref<16x128xf32, #tpu.memory_space<vmem>>, %arg3: memref<32x128xi32, #tpu.memory_space<vmem>>) attributes {dimension_semantics = [], scalar_prefetch = 0 : i64, scratch_operands = 0 : i64, tpu.core_type = #tpu.core_type<tc>} {
    %get3A = arith.constant 0 : index
    %get3A_0 = arith.constant 0 : index
    %get3A_1 = vector.load %arg0[%get3A, %get3A_0] : memref<16x8192xf32, #tpu.memory_space<vmem>>, vector<16x8192xf32>
    %iota3A = tpu.iota {dimensions = array<i32: 1>} : vector<16x8192xi32>
    %neg3A = arith.constant 0.000000e+00 : f32
    %neg3A_2 = vector.broadcast %neg3A : f32 to vector<16x8192xf32>
    %neg3A_3 = arith.subf %neg3A_2, %get3A_1 : vector<16x8192xf32>
    %reduce_max3A = arith.constant dense<0xFF800000> : vector<16xf32>
    %reduce_max3A_4 = vector.multi_reduction <maximumf>, %neg3A_3, %reduce_max3A [1] : vector<16x8192xf32> to vector<16xf32>
    %broadcast_in_dim3A = vector.shape_cast %reduce_max3A_4 : vector<16xf32> to vector<16x1xf32>
    %eq3A = vector.broadcast %broadcast_in_dim3A : vector<16x1xf32> to vector<16x8192xf32>
    %eq3A_5 = arith.cmpf oeq, %neg3A_3, %eq3A : vector<16x8192xf32>
    %jit3A = arith.constant 8192 : i32
    %broadcast_in_dim3A_6 = vector.broadcast %jit3A : i32 to vector<16x8192xi32>
    %select_n3A = arith.select %eq3A_5, %iota3A, %broadcast_in_dim3A_6 : vector<16x8192xi1>, vector<16x8192xi32>
    %reduce_min3A = arith.constant dense<2147483647> : vector<16xi32>
    %reduce_min3A_7 = vector.multi_reduction <minsi>, %select_n3A, %reduce_min3A [1] : vector<16x8192xi32> to vector<16xi32>
    %broadcast_in_dim3A_8 = vector.shape_cast %reduce_min3A_7 : vector<16xi32> to vector<16x1xi32>
    %eq3A_9 = vector.broadcast %broadcast_in_dim3A_8 : vector<16x1xi32> to vector<16x8192xi32>
    %eq3A_10 = arith.cmpi eq, %iota3A, %eq3A_9 : vector<16x8192xi32>
    %jit3A_11 = arith.constant -3.000000e+38 : f32
    %broadcast_in_dim3A_12 = vector.broadcast %jit3A_11 : f32 to vector<16x8192xf32>
    %select_n3A_13 = arith.select %eq3A_10, %broadcast_in_dim3A_12, %neg3A_3 : vector<16x8192xi1>, vector<16x8192xf32>
    %reduce_max3A_14 = arith.constant dense<0xFF800000> : vector<16xf32>
    %reduce_max3A_15 = vector.multi_reduction <maximumf>, %select_n3A_13, %reduce_max3A_14 [1] : vector<16x8192xf32> to vector<16xf32>
    %broadcast_in_dim3A_16 = vector.shape_cast %reduce_max3A_15 : vector<16xf32> to vector<16x1xf32>
    %eq3A_17 = vector.broadcast %broadcast_in_dim3A_16 : vector<16x1xf32> to vector<16x8192xf32>
    %eq3A_18 = arith.cmpf oeq, %select_n3A_13, %eq3A_17 : vector<16x8192xf32>
    %jit3A_19 = arith.constant 8192 : i32
    %broadcast_in_dim3A_20 = vector.broadcast %jit3A_19 : i32 to vector<16x8192xi32>
    %select_n3A_21 = arith.select %eq3A_18, %iota3A, %broadcast_in_dim3A_20 : vector<16x8192xi1>, vector<16x8192xi32>
    %reduce_min3A_22 = arith.constant dense<2147483647> : vector<16xi32>
    %reduce_min3A_23 = vector.multi_reduction <minsi>, %select_n3A_21, %reduce_min3A_22 [1] : vector<16x8192xi32> to vector<16xi32>
    %broadcast_in_dim3A_24 = vector.shape_cast %reduce_min3A_23 : vector<16xi32> to vector<16x1xi32>
    %eq3A_25 = vector.broadcast %broadcast_in_dim3A_24 : vector<16x1xi32> to vector<16x8192xi32>
    %eq3A_26 = arith.cmpi eq, %iota3A, %eq3A_25 : vector<16x8192xi32>
    %jit3A_27 = arith.constant -3.000000e+38 : f32
    %broadcast_in_dim3A_28 = vector.broadcast %jit3A_27 : f32 to vector<16x8192xf32>
    %select_n3A_29 = arith.select %eq3A_26, %broadcast_in_dim3A_28, %select_n3A_13 : vector<16x8192xi1>, vector<16x8192xf32>
    %reduce_max3A_30 = arith.constant dense<0xFF800000> : vector<16xf32>
    %reduce_max3A_31 = vector.multi_reduction <maximumf>, %select_n3A_29, %reduce_max3A_30 [1] : vector<16x8192xf32> to vector<16xf32>
    %broadcast_in_dim3A_32 = vector.shape_cast %reduce_max3A_31 : vector<16xf32> to vector<16x1xf32>
    %eq3A_33 = vector.broadcast %broadcast_in_dim3A_32 : vector<16x1xf32> to vector<16x8192xf32>
    %eq3A_34 = arith.cmpf oeq, %select_n3A_29, %eq3A_33 : vector<16x8192xf32>
    %jit3A_35 = arith.constant 8192 : i32
    %broadcast_in_dim3A_36 = vector.broadcast %jit3A_35 : i32 to vector<16x8192xi32>
    %select_n3A_37 = arith.select %eq3A_34, %iota3A, %broadcast_in_dim3A_36 : vector<16x8192xi1>, vector<16x8192xi32>
    %reduce_min3A_38 = arith.constant dense<2147483647> : vector<16xi32>
    %reduce_min3A_39 = vector.multi_reduction <minsi>, %select_n3A_37, %reduce_min3A_38 [1] : vector<16x8192xi32> to vector<16xi32>
    %broadcast_in_dim3A_40 = vector.shape_cast %reduce_min3A_39 : vector<16xi32> to vector<16x1xi32>
    %eq3A_41 = vector.broadcast %broadcast_in_dim3A_40 : vector<16x1xi32> to vector<16x8192xi32>
    %eq3A_42 = arith.cmpi eq, %iota3A, %eq3A_41 : vector<16x8192xi32>
    %jit3A_43 = arith.constant -3.000000e+38 : f32
    %broadcast_in_dim3A_44 = vector.broadcast %jit3A_43 : f32 to vector<16x8192xf32>
    %select_n3A_45 = arith.select %eq3A_42, %broadcast_in_dim3A_44, %select_n3A_29 : vector<16x8192xi1>, vector<16x8192xf32>
    %reduce_max3A_46 = arith.constant dense<0xFF800000> : vector<16xf32>
    %reduce_max3A_47 = vector.multi_reduction <maximumf>, %select_n3A_45, %reduce_max3A_46 [1] : vector<16x8192xf32> to vector<16xf32>
    %broadcast_in_dim3A_48 = vector.shape_cast %reduce_max3A_47 : vector<16xf32> to vector<16x1xf32>
    %eq3A_49 = vector.broadcast %broadcast_in_dim3A_48 : vector<16x1xf32> to vector<16x8192xf32>
    %eq3A_50 = arith.cmpf oeq, %select_n3A_45, %eq3A_49 : vector<16x8192xf32>
    %jit3A_51 = arith.constant 8192 : i32
    %broadcast_in_dim3A_52 = vector.broadcast %jit3A_51 : i32 to vector<16x8192xi32>
    %select_n3A_53 = arith.select %eq3A_50, %iota3A, %broadcast_in_dim3A_52 : vector<16x8192xi1>, vector<16x8192xi32>
    %reduce_min3A_54 = arith.constant dense<2147483647> : vector<16xi32>
    %reduce_min3A_55 = vector.multi_reduction <minsi>, %select_n3A_53, %reduce_min3A_54 [1] : vector<16x8192xi32> to vector<16xi32>
    %broadcast_in_dim3A_56 = vector.shape_cast %reduce_min3A_55 : vector<16xi32> to vector<16x1xi32>
    %eq3A_57 = vector.broadcast %broadcast_in_dim3A_56 : vector<16x1xi32> to vector<16x8192xi32>
    %eq3A_58 = arith.cmpi eq, %iota3A, %eq3A_57 : vector<16x8192xi32>
    %jit3A_59 = arith.constant -3.000000e+38 : f32
    %broadcast_in_dim3A_60 = vector.broadcast %jit3A_59 : f32 to vector<16x8192xf32>
    %select_n3A_61 = arith.select %eq3A_58, %broadcast_in_dim3A_60, %select_n3A_45 : vector<16x8192xi1>, vector<16x8192xf32>
    %reduce_max3A_62 = arith.constant dense<0xFF800000> : vector<16xf32>
    %reduce_max3A_63 = vector.multi_reduction <maximumf>, %select_n3A_61, %reduce_max3A_62 [1] : vector<16x8192xf32> to vector<16xf32>
    %broadcast_in_dim3A_64 = vector.shape_cast %reduce_max3A_63 : vector<16xf32> to vector<16x1xf32>
    %eq3A_65 = vector.broadcast %broadcast_in_dim3A_64 : vector<16x1xf32> to vector<16x8192xf32>
    %eq3A_66 = arith.cmpf oeq, %select_n3A_61, %eq3A_65 : vector<16x8192xf32>
    %jit3A_67 = arith.constant 8192 : i32
    %broadcast_in_dim3A_68 = vector.broadcast %jit3A_67 : i32 to vector<16x8192xi32>
    %select_n3A_69 = arith.select %eq3A_66, %iota3A, %broadcast_in_dim3A_68 : vector<16x8192xi1>, vector<16x8192xi32>
    %reduce_min3A_70 = arith.constant dense<2147483647> : vector<16xi32>
    %reduce_min3A_71 = vector.multi_reduction <minsi>, %select_n3A_69, %reduce_min3A_70 [1] : vector<16x8192xi32> to vector<16xi32>
    %broadcast_in_dim3A_72 = vector.shape_cast %reduce_min3A_71 : vector<16xi32> to vector<16x1xi32>
    %reduce_max3A_73 = arith.constant dense<0xFF800000> : vector<16xf32>
    %reduce_max3A_74 = vector.multi_reduction <maximumf>, %get3A_1, %reduce_max3A_73 [1] : vector<16x8192xf32> to vector<16xf32>
    %broadcast_in_dim3A_75 = vector.shape_cast %reduce_max3A_74 : vector<16xf32> to vector<16x1xf32>
    %eq3A_76 = vector.broadcast %broadcast_in_dim3A_75 : vector<16x1xf32> to vector<16x8192xf32>
    %eq3A_77 = arith.cmpf oeq, %get3A_1, %eq3A_76 : vector<16x8192xf32>
    %jit3A_78 = arith.constant 8192 : i32
    %broadcast_in_dim3A_79 = vector.broadcast %jit3A_78 : i32 to vector<16x8192xi32>
    %select_n3A_80 = arith.select %eq3A_77, %iota3A, %broadcast_in_dim3A_79 : vector<16x8192xi1>, vector<16x8192xi32>
    %reduce_min3A_81 = arith.constant dense<2147483647> : vector<16xi32>
    %reduce_min3A_82 = vector.multi_reduction <minsi>, %select_n3A_80, %reduce_min3A_81 [1] : vector<16x8192xi32> to vector<16xi32>
    %broadcast_in_dim3A_83 = vector.shape_cast %reduce_min3A_82 : vector<16xi32> to vector<16x1xi32>
    %eq3A_84 = vector.broadcast %broadcast_in_dim3A_83 : vector<16x1xi32> to vector<16x8192xi32>
    %eq3A_85 = arith.cmpi eq, %iota3A, %eq3A_84 : vector<16x8192xi32>
    %jit3A_86 = arith.constant -3.000000e+38 : f32
    %broadcast_in_dim3A_87 = vector.broadcast %jit3A_86 : f32 to vector<16x8192xf32>
    %select_n3A_88 = arith.select %eq3A_85, %broadcast_in_dim3A_87, %get3A_1 : vector<16x8192xi1>, vector<16x8192xf32>
    %reduce_max3A_89 = arith.constant dense<0xFF800000> : vector<16xf32>
    %reduce_max3A_90 = vector.multi_reduction <maximumf>, %select_n3A_88, %reduce_max3A_89 [1] : vector<16x8192xf32> to vector<16xf32>
    %broadcast_in_dim3A_91 = vector.shape_cast %reduce_max3A_90 : vector<16xf32> to vector<16x1xf32>
    %eq3A_92 = vector.broadcast %broadcast_in_dim3A_91 : vector<16x1xf32> to vector<16x8192xf32>
    %eq3A_93 = arith.cmpf oeq, %select_n3A_88, %eq3A_92 : vector<16x8192xf32>
    %jit3A_94 = arith.constant 8192 : i32
    %broadcast_in_dim3A_95 = vector.broadcast %jit3A_94 : i32 to vector<16x8192xi32>
    %select_n3A_96 = arith.select %eq3A_93, %iota3A, %broadcast_in_dim3A_95 : vector<16x8192xi1>, vector<16x8192xi32>
    %reduce_min3A_97 = arith.constant dense<2147483647> : vector<16xi32>
    %reduce_min3A_98 = vector.multi_reduction <minsi>, %select_n3A_96, %reduce_min3A_97 [1] : vector<16x8192xi32> to vector<16xi32>
    %broadcast_in_dim3A_99 = vector.shape_cast %reduce_min3A_98 : vector<16xi32> to vector<16x1xi32>
    %eq3A_100 = vector.broadcast %broadcast_in_dim3A_99 : vector<16x1xi32> to vector<16x8192xi32>
    %eq3A_101 = arith.cmpi eq, %iota3A, %eq3A_100 : vector<16x8192xi32>
    %jit3A_102 = arith.constant -3.000000e+38 : f32
    %broadcast_in_dim3A_103 = vector.broadcast %jit3A_102 : f32 to vector<16x8192xf32>
    %select_n3A_104 = arith.select %eq3A_101, %broadcast_in_dim3A_103, %select_n3A_88 : vector<16x8192xi1>, vector<16x8192xf32>
    %reduce_max3A_105 = arith.constant dense<0xFF800000> : vector<16xf32>
    %reduce_max3A_106 = vector.multi_reduction <maximumf>, %select_n3A_104, %reduce_max3A_105 [1] : vector<16x8192xf32> to vector<16xf32>
    %broadcast_in_dim3A_107 = vector.shape_cast %reduce_max3A_106 : vector<16xf32> to vector<16x1xf32>
    %eq3A_108 = vector.broadcast %broadcast_in_dim3A_107 : vector<16x1xf32> to vector<16x8192xf32>
    %eq3A_109 = arith.cmpf oeq, %select_n3A_104, %eq3A_108 : vector<16x8192xf32>
    %jit3A_110 = arith.constant 8192 : i32
    %broadcast_in_dim3A_111 = vector.broadcast %jit3A_110 : i32 to vector<16x8192xi32>
    %select_n3A_112 = arith.select %eq3A_109, %iota3A, %broadcast_in_dim3A_111 : vector<16x8192xi1>, vector<16x8192xi32>
    %reduce_min3A_113 = arith.constant dense<2147483647> : vector<16xi32>
    %reduce_min3A_114 = vector.multi_reduction <minsi>, %select_n3A_112, %reduce_min3A_113 [1] : vector<16x8192xi32> to vector<16xi32>
    %broadcast_in_dim3A_115 = vector.shape_cast %reduce_min3A_114 : vector<16xi32> to vector<16x1xi32>
    %eq3A_116 = vector.broadcast %broadcast_in_dim3A_115 : vector<16x1xi32> to vector<16x8192xi32>
    %eq3A_117 = arith.cmpi eq, %iota3A, %eq3A_116 : vector<16x8192xi32>
    %jit3A_118 = arith.constant -3.000000e+38 : f32
    %broadcast_in_dim3A_119 = vector.broadcast %jit3A_118 : f32 to vector<16x8192xf32>
    %select_n3A_120 = arith.select %eq3A_117, %broadcast_in_dim3A_119, %select_n3A_104 : vector<16x8192xi1>, vector<16x8192xf32>
    %reduce_max3A_121 = arith.constant dense<0xFF800000> : vector<16xf32>
    %reduce_max3A_122 = vector.multi_reduction <maximumf>, %select_n3A_120, %reduce_max3A_121 [1] : vector<16x8192xf32> to vector<16xf32>
    %broadcast_in_dim3A_123 = vector.shape_cast %reduce_max3A_122 : vector<16xf32> to vector<16x1xf32>
    %eq3A_124 = vector.broadcast %broadcast_in_dim3A_123 : vector<16x1xf32> to vector<16x8192xf32>
    %eq3A_125 = arith.cmpf oeq, %select_n3A_120, %eq3A_124 : vector<16x8192xf32>
    %jit3A_126 = arith.constant 8192 : i32
    %broadcast_in_dim3A_127 = vector.broadcast %jit3A_126 : i32 to vector<16x8192xi32>
    %select_n3A_128 = arith.select %eq3A_125, %iota3A, %broadcast_in_dim3A_127 : vector<16x8192xi1>, vector<16x8192xi32>
    %reduce_min3A_129 = arith.constant dense<2147483647> : vector<16xi32>
    %reduce_min3A_130 = vector.multi_reduction <minsi>, %select_n3A_128, %reduce_min3A_129 [1] : vector<16x8192xi32> to vector<16xi32>
    %broadcast_in_dim3A_131 = vector.shape_cast %reduce_min3A_130 : vector<16xi32> to vector<16x1xi32>
    %eq3A_132 = vector.broadcast %broadcast_in_dim3A_131 : vector<16x1xi32> to vector<16x8192xi32>
    %eq3A_133 = arith.cmpi eq, %iota3A, %eq3A_132 : vector<16x8192xi32>
    %jit3A_134 = arith.constant -3.000000e+38 : f32
    %broadcast_in_dim3A_135 = vector.broadcast %jit3A_134 : f32 to vector<16x8192xf32>
    %select_n3A_136 = arith.select %eq3A_133, %broadcast_in_dim3A_135, %select_n3A_120 : vector<16x8192xi1>, vector<16x8192xf32>
    %reduce_max3A_137 = arith.constant dense<0xFF800000> : vector<16xf32>
    %reduce_max3A_138 = vector.multi_reduction <maximumf>, %select_n3A_136, %reduce_max3A_137 [1] : vector<16x8192xf32> to vector<16xf32>
    %broadcast_in_dim3A_139 = vector.shape_cast %reduce_max3A_138 : vector<16xf32> to vector<16x1xf32>
    %eq3A_140 = vector.broadcast %broadcast_in_dim3A_139 : vector<16x1xf32> to vector<16x8192xf32>
    %eq3A_141 = arith.cmpf oeq, %select_n3A_136, %eq3A_140 : vector<16x8192xf32>
    %jit3A_142 = arith.constant 8192 : i32
    %broadcast_in_dim3A_143 = vector.broadcast %jit3A_142 : i32 to vector<16x8192xi32>
    %select_n3A_144 = arith.select %eq3A_141, %iota3A, %broadcast_in_dim3A_143 : vector<16x8192xi1>, vector<16x8192xi32>
    %reduce_min3A_145 = arith.constant dense<2147483647> : vector<16xi32>
    %reduce_min3A_146 = vector.multi_reduction <minsi>, %select_n3A_144, %reduce_min3A_145 [1] : vector<16x8192xi32> to vector<16xi32>
    %broadcast_in_dim3A_147 = vector.shape_cast %reduce_min3A_146 : vector<16xi32> to vector<16x1xi32>
    %eq3A_148 = vector.broadcast %broadcast_in_dim3A_147 : vector<16x1xi32> to vector<16x8192xi32>
    %eq3A_149 = arith.cmpi eq, %iota3A, %eq3A_148 : vector<16x8192xi32>
    %jit3A_150 = arith.constant -3.000000e+38 : f32
    %broadcast_in_dim3A_151 = vector.broadcast %jit3A_150 : f32 to vector<16x8192xf32>
    %select_n3A_152 = arith.select %eq3A_149, %broadcast_in_dim3A_151, %select_n3A_136 : vector<16x8192xi1>, vector<16x8192xf32>
    %reduce_max3A_153 = arith.constant dense<0xFF800000> : vector<16xf32>
    %reduce_max3A_154 = vector.multi_reduction <maximumf>, %select_n3A_152, %reduce_max3A_153 [1] : vector<16x8192xf32> to vector<16xf32>
    %broadcast_in_dim3A_155 = vector.shape_cast %reduce_max3A_154 : vector<16xf32> to vector<16x1xf32>
    %eq3A_156 = vector.broadcast %broadcast_in_dim3A_155 : vector<16x1xf32> to vector<16x8192xf32>
    %eq3A_157 = arith.cmpf oeq, %select_n3A_152, %eq3A_156 : vector<16x8192xf32>
    %jit3A_158 = arith.constant 8192 : i32
    %broadcast_in_dim3A_159 = vector.broadcast %jit3A_158 : i32 to vector<16x8192xi32>
    %select_n3A_160 = arith.select %eq3A_157, %iota3A, %broadcast_in_dim3A_159 : vector<16x8192xi1>, vector<16x8192xi32>
    %reduce_min3A_161 = arith.constant dense<2147483647> : vector<16xi32>
    %reduce_min3A_162 = vector.multi_reduction <minsi>, %select_n3A_160, %reduce_min3A_161 [1] : vector<16x8192xi32> to vector<16xi32>
    %broadcast_in_dim3A_163 = vector.shape_cast %reduce_min3A_162 : vector<16xi32> to vector<16x1xi32>
    %eq3A_164 = vector.broadcast %broadcast_in_dim3A_163 : vector<16x1xi32> to vector<16x8192xi32>
    %eq3A_165 = arith.cmpi eq, %iota3A, %eq3A_164 : vector<16x8192xi32>
    %jit3A_166 = arith.constant -3.000000e+38 : f32
    %broadcast_in_dim3A_167 = vector.broadcast %jit3A_166 : f32 to vector<16x8192xf32>
    %select_n3A_168 = arith.select %eq3A_165, %broadcast_in_dim3A_167, %select_n3A_152 : vector<16x8192xi1>, vector<16x8192xf32>
    %reduce_max3A_169 = arith.constant dense<0xFF800000> : vector<16xf32>
    %reduce_max3A_170 = vector.multi_reduction <maximumf>, %select_n3A_168, %reduce_max3A_169 [1] : vector<16x8192xf32> to vector<16xf32>
    %broadcast_in_dim3A_171 = vector.shape_cast %reduce_max3A_170 : vector<16xf32> to vector<16x1xf32>
    %eq3A_172 = vector.broadcast %broadcast_in_dim3A_171 : vector<16x1xf32> to vector<16x8192xf32>
    %eq3A_173 = arith.cmpf oeq, %select_n3A_168, %eq3A_172 : vector<16x8192xf32>
    %jit3A_174 = arith.constant 8192 : i32
    %broadcast_in_dim3A_175 = vector.broadcast %jit3A_174 : i32 to vector<16x8192xi32>
    %select_n3A_176 = arith.select %eq3A_173, %iota3A, %broadcast_in_dim3A_175 : vector<16x8192xi1>, vector<16x8192xi32>
    %reduce_min3A_177 = arith.constant dense<2147483647> : vector<16xi32>
    %reduce_min3A_178 = vector.multi_reduction <minsi>, %select_n3A_176, %reduce_min3A_177 [1] : vector<16x8192xi32> to vector<16xi32>
    %broadcast_in_dim3A_179 = vector.shape_cast %reduce_min3A_178 : vector<16xi32> to vector<16x1xi32>
    %eq3A_180 = vector.broadcast %broadcast_in_dim3A_179 : vector<16x1xi32> to vector<16x8192xi32>
    %eq3A_181 = arith.cmpi eq, %iota3A, %eq3A_180 : vector<16x8192xi32>
    %jit3A_182 = arith.constant -3.000000e+38 : f32
    %broadcast_in_dim3A_183 = vector.broadcast %jit3A_182 : f32 to vector<16x8192xf32>
    %select_n3A_184 = arith.select %eq3A_181, %broadcast_in_dim3A_183, %select_n3A_168 : vector<16x8192xi1>, vector<16x8192xf32>
    %reduce_max3A_185 = arith.constant dense<0xFF800000> : vector<16xf32>
    %reduce_max3A_186 = vector.multi_reduction <maximumf>, %select_n3A_184, %reduce_max3A_185 [1] : vector<16x8192xf32> to vector<16xf32>
    %broadcast_in_dim3A_187 = vector.shape_cast %reduce_max3A_186 : vector<16xf32> to vector<16x1xf32>
    %eq3A_188 = vector.broadcast %broadcast_in_dim3A_187 : vector<16x1xf32> to vector<16x8192xf32>
    %eq3A_189 = arith.cmpf oeq, %select_n3A_184, %eq3A_188 : vector<16x8192xf32>
    %jit3A_190 = arith.constant 8192 : i32
    %broadcast_in_dim3A_191 = vector.broadcast %jit3A_190 : i32 to vector<16x8192xi32>
    %select_n3A_192 = arith.select %eq3A_189, %iota3A, %broadcast_in_dim3A_191 : vector<16x8192xi1>, vector<16x8192xi32>
    %reduce_min3A_193 = arith.constant dense<2147483647> : vector<16xi32>
    %reduce_min3A_194 = vector.multi_reduction <minsi>, %select_n3A_192, %reduce_min3A_193 [1] : vector<16x8192xi32> to vector<16xi32>
    %broadcast_in_dim3A_195 = vector.shape_cast %reduce_min3A_194 : vector<16xi32> to vector<16x1xi32>
    %eq3A_196 = vector.broadcast %broadcast_in_dim3A_195 : vector<16x1xi32> to vector<16x8192xi32>
    %eq3A_197 = arith.cmpi eq, %iota3A, %eq3A_196 : vector<16x8192xi32>
    %jit3A_198 = arith.constant -3.000000e+38 : f32
    %broadcast_in_dim3A_199 = vector.broadcast %jit3A_198 : f32 to vector<16x8192xf32>
    %select_n3A_200 = arith.select %eq3A_197, %broadcast_in_dim3A_199, %select_n3A_184 : vector<16x8192xi1>, vector<16x8192xf32>
    %reduce_max3A_201 = arith.constant dense<0xFF800000> : vector<16xf32>
    %reduce_max3A_202 = vector.multi_reduction <maximumf>, %select_n3A_200, %reduce_max3A_201 [1] : vector<16x8192xf32> to vector<16xf32>
    %broadcast_in_dim3A_203 = vector.shape_cast %reduce_max3A_202 : vector<16xf32> to vector<16x1xf32>
    %eq3A_204 = vector.broadcast %broadcast_in_dim3A_203 : vector<16x1xf32> to vector<16x8192xf32>
    %eq3A_205 = arith.cmpf oeq, %select_n3A_200, %eq3A_204 : vector<16x8192xf32>
    %jit3A_206 = arith.constant 8192 : i32
    %broadcast_in_dim3A_207 = vector.broadcast %jit3A_206 : i32 to vector<16x8192xi32>
    %select_n3A_208 = arith.select %eq3A_205, %iota3A, %broadcast_in_dim3A_207 : vector<16x8192xi1>, vector<16x8192xi32>
    %reduce_min3A_209 = arith.constant dense<2147483647> : vector<16xi32>
    %reduce_min3A_210 = vector.multi_reduction <minsi>, %select_n3A_208, %reduce_min3A_209 [1] : vector<16x8192xi32> to vector<16xi32>
    %broadcast_in_dim3A_211 = vector.shape_cast %reduce_min3A_210 : vector<16xi32> to vector<16x1xi32>
    %eq3A_212 = vector.broadcast %broadcast_in_dim3A_211 : vector<16x1xi32> to vector<16x8192xi32>
    %eq3A_213 = arith.cmpi eq, %iota3A, %eq3A_212 : vector<16x8192xi32>
    %jit3A_214 = arith.constant -3.000000e+38 : f32
    %broadcast_in_dim3A_215 = vector.broadcast %jit3A_214 : f32 to vector<16x8192xf32>
    %select_n3A_216 = arith.select %eq3A_213, %broadcast_in_dim3A_215, %select_n3A_200 : vector<16x8192xi1>, vector<16x8192xf32>
    %reduce_max3A_217 = arith.constant dense<0xFF800000> : vector<16xf32>
    %reduce_max3A_218 = vector.multi_reduction <maximumf>, %select_n3A_216, %reduce_max3A_217 [1] : vector<16x8192xf32> to vector<16xf32>
    %broadcast_in_dim3A_219 = vector.shape_cast %reduce_max3A_218 : vector<16xf32> to vector<16x1xf32>
    %eq3A_220 = vector.broadcast %broadcast_in_dim3A_219 : vector<16x1xf32> to vector<16x8192xf32>
    %eq3A_221 = arith.cmpf oeq, %select_n3A_216, %eq3A_220 : vector<16x8192xf32>
    %jit3A_222 = arith.constant 8192 : i32
    %broadcast_in_dim3A_223 = vector.broadcast %jit3A_222 : i32 to vector<16x8192xi32>
    %select_n3A_224 = arith.select %eq3A_221, %iota3A, %broadcast_in_dim3A_223 : vector<16x8192xi1>, vector<16x8192xi32>
    %reduce_min3A_225 = arith.constant dense<2147483647> : vector<16xi32>
    %reduce_min3A_226 = vector.multi_reduction <minsi>, %select_n3A_224, %reduce_min3A_225 [1] : vector<16x8192xi32> to vector<16xi32>
    %broadcast_in_dim3A_227 = vector.shape_cast %reduce_min3A_226 : vector<16xi32> to vector<16x1xi32>
    %sub3A = arith.constant 5.000000e-01 : f32
    %sub3A_228 = vector.broadcast %sub3A : f32 to vector<16x8192xf32>
    %sub3A_229 = arith.subf %get3A_1, %sub3A_228 : vector<16x8192xf32>
    %abs3A = math.absf %sub3A_229 : vector<16x8192xf32>
    %neg3A_230 = arith.constant 0.000000e+00 : f32
    %neg3A_231 = vector.broadcast %neg3A_230 : f32 to vector<16x8192xf32>
    %neg3A_232 = arith.subf %neg3A_231, %abs3A : vector<16x8192xf32>
    %reduce_max3A_233 = arith.constant dense<0xFF800000> : vector<16xf32>
    %reduce_max3A_234 = vector.multi_reduction <maximumf>, %neg3A_232, %reduce_max3A_233 [1] : vector<16x8192xf32> to vector<16xf32>
    %broadcast_in_dim3A_235 = vector.shape_cast %reduce_max3A_234 : vector<16xf32> to vector<16x1xf32>
    %eq3A_236 = vector.broadcast %broadcast_in_dim3A_235 : vector<16x1xf32> to vector<16x8192xf32>
    %eq3A_237 = arith.cmpf oeq, %neg3A_232, %eq3A_236 : vector<16x8192xf32>
    %jit3A_238 = arith.constant 8192 : i32
    %broadcast_in_dim3A_239 = vector.broadcast %jit3A_238 : i32 to vector<16x8192xi32>
    %select_n3A_240 = arith.select %eq3A_237, %iota3A, %broadcast_in_dim3A_239 : vector<16x8192xi1>, vector<16x8192xi32>
    %reduce_min3A_241 = arith.constant dense<2147483647> : vector<16xi32>
    %reduce_min3A_242 = vector.multi_reduction <minsi>, %select_n3A_240, %reduce_min3A_241 [1] : vector<16x8192xi32> to vector<16xi32>
    %broadcast_in_dim3A_243 = vector.shape_cast %reduce_min3A_242 : vector<16xi32> to vector<16x1xi32>
    %eq3A_244 = vector.broadcast %broadcast_in_dim3A_243 : vector<16x1xi32> to vector<16x8192xi32>
    %eq3A_245 = arith.cmpi eq, %iota3A, %eq3A_244 : vector<16x8192xi32>
    %jit3A_246 = arith.constant 0.000000e+00 : f32
    %broadcast_in_dim3A_247 = vector.broadcast %jit3A_246 : f32 to vector<16x8192xf32>
    %select_n3A_248 = arith.select %eq3A_245, %get3A_1, %broadcast_in_dim3A_247 : vector<16x8192xi1>, vector<16x8192xf32>
    %reduce_sum3A = arith.constant dense<0.000000e+00> : vector<16xf32>
    %reduce_sum3A_249 = vector.multi_reduction <add>, %select_n3A_248, %reduce_sum3A [1] : vector<16x8192xf32> to vector<16xf32>
    %broadcast_in_dim3A_250 = vector.shape_cast %reduce_sum3A_249 : vector<16xf32> to vector<16x1xf32>
    %jit3A_251 = arith.constant -3.000000e+38 : f32
    %broadcast_in_dim3A_252 = vector.broadcast %jit3A_251 : f32 to vector<16x8192xf32>
    %select_n3A_253 = arith.select %eq3A_245, %broadcast_in_dim3A_252, %neg3A_232 : vector<16x8192xi1>, vector<16x8192xf32>
    %reduce_max3A_254 = arith.constant dense<0xFF800000> : vector<16xf32>
    %reduce_max3A_255 = vector.multi_reduction <maximumf>, %select_n3A_253, %reduce_max3A_254 [1] : vector<16x8192xf32> to vector<16xf32>
    %broadcast_in_dim3A_256 = vector.shape_cast %reduce_max3A_255 : vector<16xf32> to vector<16x1xf32>
    %eq3A_257 = vector.broadcast %broadcast_in_dim3A_256 : vector<16x1xf32> to vector<16x8192xf32>
    %eq3A_258 = arith.cmpf oeq, %select_n3A_253, %eq3A_257 : vector<16x8192xf32>
    %jit3A_259 = arith.constant 8192 : i32
    %broadcast_in_dim3A_260 = vector.broadcast %jit3A_259 : i32 to vector<16x8192xi32>
    %select_n3A_261 = arith.select %eq3A_258, %iota3A, %broadcast_in_dim3A_260 : vector<16x8192xi1>, vector<16x8192xi32>
    %reduce_min3A_262 = arith.constant dense<2147483647> : vector<16xi32>
    %reduce_min3A_263 = vector.multi_reduction <minsi>, %select_n3A_261, %reduce_min3A_262 [1] : vector<16x8192xi32> to vector<16xi32>
    %broadcast_in_dim3A_264 = vector.shape_cast %reduce_min3A_263 : vector<16xi32> to vector<16x1xi32>
    %eq3A_265 = vector.broadcast %broadcast_in_dim3A_264 : vector<16x1xi32> to vector<16x8192xi32>
    %eq3A_266 = arith.cmpi eq, %iota3A, %eq3A_265 : vector<16x8192xi32>
    %jit3A_267 = arith.constant 0.000000e+00 : f32
    %broadcast_in_dim3A_268 = vector.broadcast %jit3A_267 : f32 to vector<16x8192xf32>
    %select_n3A_269 = arith.select %eq3A_266, %get3A_1, %broadcast_in_dim3A_268 : vector<16x8192xi1>, vector<16x8192xf32>
    %reduce_sum3A_270 = arith.constant dense<0.000000e+00> : vector<16xf32>
    %reduce_sum3A_271 = vector.multi_reduction <add>, %select_n3A_269, %reduce_sum3A_270 [1] : vector<16x8192xf32> to vector<16xf32>
    %broadcast_in_dim3A_272 = vector.shape_cast %reduce_sum3A_271 : vector<16xf32> to vector<16x1xf32>
    %jit3A_273 = arith.constant -3.000000e+38 : f32
    %broadcast_in_dim3A_274 = vector.broadcast %jit3A_273 : f32 to vector<16x8192xf32>
    %select_n3A_275 = arith.select %eq3A_266, %broadcast_in_dim3A_274, %select_n3A_253 : vector<16x8192xi1>, vector<16x8192xf32>
    %reduce_max3A_276 = arith.constant dense<0xFF800000> : vector<16xf32>
    %reduce_max3A_277 = vector.multi_reduction <maximumf>, %select_n3A_275, %reduce_max3A_276 [1] : vector<16x8192xf32> to vector<16xf32>
    %broadcast_in_dim3A_278 = vector.shape_cast %reduce_max3A_277 : vector<16xf32> to vector<16x1xf32>
    %eq3A_279 = vector.broadcast %broadcast_in_dim3A_278 : vector<16x1xf32> to vector<16x8192xf32>
    %eq3A_280 = arith.cmpf oeq, %select_n3A_275, %eq3A_279 : vector<16x8192xf32>
    %jit3A_281 = arith.constant 8192 : i32
    %broadcast_in_dim3A_282 = vector.broadcast %jit3A_281 : i32 to vector<16x8192xi32>
    %select_n3A_283 = arith.select %eq3A_280, %iota3A, %broadcast_in_dim3A_282 : vector<16x8192xi1>, vector<16x8192xi32>
    %reduce_min3A_284 = arith.constant dense<2147483647> : vector<16xi32>
    %reduce_min3A_285 = vector.multi_reduction <minsi>, %select_n3A_283, %reduce_min3A_284 [1] : vector<16x8192xi32> to vector<16xi32>
    %broadcast_in_dim3A_286 = vector.shape_cast %reduce_min3A_285 : vector<16xi32> to vector<16x1xi32>
    %eq3A_287 = vector.broadcast %broadcast_in_dim3A_286 : vector<16x1xi32> to vector<16x8192xi32>
    %eq3A_288 = arith.cmpi eq, %iota3A, %eq3A_287 : vector<16x8192xi32>
    %jit3A_289 = arith.constant 0.000000e+00 : f32
    %broadcast_in_dim3A_290 = vector.broadcast %jit3A_289 : f32 to vector<16x8192xf32>
    %select_n3A_291 = arith.select %eq3A_288, %get3A_1, %broadcast_in_dim3A_290 : vector<16x8192xi1>, vector<16x8192xf32>
    %reduce_sum3A_292 = arith.constant dense<0.000000e+00> : vector<16xf32>
    %reduce_sum3A_293 = vector.multi_reduction <add>, %select_n3A_291, %reduce_sum3A_292 [1] : vector<16x8192xf32> to vector<16xf32>
    %broadcast_in_dim3A_294 = vector.shape_cast %reduce_sum3A_293 : vector<16xf32> to vector<16x1xf32>
    %jit3A_295 = arith.constant -3.000000e+38 : f32
    %broadcast_in_dim3A_296 = vector.broadcast %jit3A_295 : f32 to vector<16x8192xf32>
    %select_n3A_297 = arith.select %eq3A_288, %broadcast_in_dim3A_296, %select_n3A_275 : vector<16x8192xi1>, vector<16x8192xf32>
    %reduce_max3A_298 = arith.constant dense<0xFF800000> : vector<16xf32>
    %reduce_max3A_299 = vector.multi_reduction <maximumf>, %select_n3A_297, %reduce_max3A_298 [1] : vector<16x8192xf32> to vector<16xf32>
    %broadcast_in_dim3A_300 = vector.shape_cast %reduce_max3A_299 : vector<16xf32> to vector<16x1xf32>
    %eq3A_301 = vector.broadcast %broadcast_in_dim3A_300 : vector<16x1xf32> to vector<16x8192xf32>
    %eq3A_302 = arith.cmpf oeq, %select_n3A_297, %eq3A_301 : vector<16x8192xf32>
    %jit3A_303 = arith.constant 8192 : i32
    %broadcast_in_dim3A_304 = vector.broadcast %jit3A_303 : i32 to vector<16x8192xi32>
    %select_n3A_305 = arith.select %eq3A_302, %iota3A, %broadcast_in_dim3A_304 : vector<16x8192xi1>, vector<16x8192xi32>
    %reduce_min3A_306 = arith.constant dense<2147483647> : vector<16xi32>
    %reduce_min3A_307 = vector.multi_reduction <minsi>, %select_n3A_305, %reduce_min3A_306 [1] : vector<16x8192xi32> to vector<16xi32>
    %broadcast_in_dim3A_308 = vector.shape_cast %reduce_min3A_307 : vector<16xi32> to vector<16x1xi32>
    %eq3A_309 = vector.broadcast %broadcast_in_dim3A_308 : vector<16x1xi32> to vector<16x8192xi32>
    %eq3A_310 = arith.cmpi eq, %iota3A, %eq3A_309 : vector<16x8192xi32>
    %jit3A_311 = arith.constant 0.000000e+00 : f32
    %broadcast_in_dim3A_312 = vector.broadcast %jit3A_311 : f32 to vector<16x8192xf32>
    %select_n3A_313 = arith.select %eq3A_310, %get3A_1, %broadcast_in_dim3A_312 : vector<16x8192xi1>, vector<16x8192xf32>
    %reduce_sum3A_314 = arith.constant dense<0.000000e+00> : vector<16xf32>
    %reduce_sum3A_315 = vector.multi_reduction <add>, %select_n3A_313, %reduce_sum3A_314 [1] : vector<16x8192xf32> to vector<16xf32>
    %broadcast_in_dim3A_316 = vector.shape_cast %reduce_sum3A_315 : vector<16xf32> to vector<16x1xf32>
    %jit3A_317 = arith.constant -3.000000e+38 : f32
    %broadcast_in_dim3A_318 = vector.broadcast %jit3A_317 : f32 to vector<16x8192xf32>
    %select_n3A_319 = arith.select %eq3A_310, %broadcast_in_dim3A_318, %select_n3A_297 : vector<16x8192xi1>, vector<16x8192xf32>
    %reduce_max3A_320 = arith.constant dense<0xFF800000> : vector<16xf32>
    %reduce_max3A_321 = vector.multi_reduction <maximumf>, %select_n3A_319, %reduce_max3A_320 [1] : vector<16x8192xf32> to vector<16xf32>
    %broadcast_in_dim3A_322 = vector.shape_cast %reduce_max3A_321 : vector<16xf32> to vector<16x1xf32>
    %eq3A_323 = vector.broadcast %broadcast_in_dim3A_322 : vector<16x1xf32> to vector<16x8192xf32>
    %eq3A_324 = arith.cmpf oeq, %select_n3A_319, %eq3A_323 : vector<16x8192xf32>
    %jit3A_325 = arith.constant 8192 : i32
    %broadcast_in_dim3A_326 = vector.broadcast %jit3A_325 : i32 to vector<16x8192xi32>
    %select_n3A_327 = arith.select %eq3A_324, %iota3A, %broadcast_in_dim3A_326 : vector<16x8192xi1>, vector<16x8192xi32>
    %reduce_min3A_328 = arith.constant dense<2147483647> : vector<16xi32>
    %reduce_min3A_329 = vector.multi_reduction <minsi>, %select_n3A_327, %reduce_min3A_328 [1] : vector<16x8192xi32> to vector<16xi32>
    %broadcast_in_dim3A_330 = vector.shape_cast %reduce_min3A_329 : vector<16xi32> to vector<16x1xi32>
    %eq3A_331 = vector.broadcast %broadcast_in_dim3A_330 : vector<16x1xi32> to vector<16x8192xi32>
    %eq3A_332 = arith.cmpi eq, %iota3A, %eq3A_331 : vector<16x8192xi32>
    %jit3A_333 = arith.constant 0.000000e+00 : f32
    %broadcast_in_dim3A_334 = vector.broadcast %jit3A_333 : f32 to vector<16x8192xf32>
    %select_n3A_335 = arith.select %eq3A_332, %get3A_1, %broadcast_in_dim3A_334 : vector<16x8192xi1>, vector<16x8192xf32>
    %reduce_sum3A_336 = arith.constant dense<0.000000e+00> : vector<16xf32>
    %reduce_sum3A_337 = vector.multi_reduction <add>, %select_n3A_335, %reduce_sum3A_336 [1] : vector<16x8192xf32> to vector<16xf32>
    %broadcast_in_dim3A_338 = vector.shape_cast %reduce_sum3A_337 : vector<16xf32> to vector<16x1xf32>
    %jit3A_339 = arith.constant -3.000000e+38 : f32
    %broadcast_in_dim3A_340 = vector.broadcast %jit3A_339 : f32 to vector<16x8192xf32>
    %select_n3A_341 = arith.select %eq3A_332, %broadcast_in_dim3A_340, %select_n3A_319 : vector<16x8192xi1>, vector<16x8192xf32>
    %reduce_max3A_342 = arith.constant dense<0xFF800000> : vector<16xf32>
    %reduce_max3A_343 = vector.multi_reduction <maximumf>, %select_n3A_341, %reduce_max3A_342 [1] : vector<16x8192xf32> to vector<16xf32>
    %broadcast_in_dim3A_344 = vector.shape_cast %reduce_max3A_343 : vector<16xf32> to vector<16x1xf32>
    %eq3A_345 = vector.broadcast %broadcast_in_dim3A_344 : vector<16x1xf32> to vector<16x8192xf32>
    %eq3A_346 = arith.cmpf oeq, %select_n3A_341, %eq3A_345 : vector<16x8192xf32>
    %jit3A_347 = arith.constant 8192 : i32
    %broadcast_in_dim3A_348 = vector.broadcast %jit3A_347 : i32 to vector<16x8192xi32>
    %select_n3A_349 = arith.select %eq3A_346, %iota3A, %broadcast_in_dim3A_348 : vector<16x8192xi1>, vector<16x8192xi32>
    %reduce_min3A_350 = arith.constant dense<2147483647> : vector<16xi32>
    %reduce_min3A_351 = vector.multi_reduction <minsi>, %select_n3A_349, %reduce_min3A_350 [1] : vector<16x8192xi32> to vector<16xi32>
    %broadcast_in_dim3A_352 = vector.shape_cast %reduce_min3A_351 : vector<16xi32> to vector<16x1xi32>
    %eq3A_353 = vector.broadcast %broadcast_in_dim3A_352 : vector<16x1xi32> to vector<16x8192xi32>
    %eq3A_354 = arith.cmpi eq, %iota3A, %eq3A_353 : vector<16x8192xi32>
    %jit3A_355 = arith.constant 0.000000e+00 : f32
    %broadcast_in_dim3A_356 = vector.broadcast %jit3A_355 : f32 to vector<16x8192xf32>
    %select_n3A_357 = arith.select %eq3A_354, %get3A_1, %broadcast_in_dim3A_356 : vector<16x8192xi1>, vector<16x8192xf32>
    %reduce_sum3A_358 = arith.constant dense<0.000000e+00> : vector<16xf32>
    %reduce_sum3A_359 = vector.multi_reduction <add>, %select_n3A_357, %reduce_sum3A_358 [1] : vector<16x8192xf32> to vector<16xf32>
    %broadcast_in_dim3A_360 = vector.shape_cast %reduce_sum3A_359 : vector<16xf32> to vector<16x1xf32>
    %jit3A_361 = arith.constant -3.000000e+38 : f32
    %broadcast_in_dim3A_362 = vector.broadcast %jit3A_361 : f32 to vector<16x8192xf32>
    %select_n3A_363 = arith.select %eq3A_354, %broadcast_in_dim3A_362, %select_n3A_341 : vector<16x8192xi1>, vector<16x8192xf32>
    %reduce_max3A_364 = arith.constant dense<0xFF800000> : vector<16xf32>
    %reduce_max3A_365 = vector.multi_reduction <maximumf>, %select_n3A_363, %reduce_max3A_364 [1] : vector<16x8192xf32> to vector<16xf32>
    %broadcast_in_dim3A_366 = vector.shape_cast %reduce_max3A_365 : vector<16xf32> to vector<16x1xf32>
    %eq3A_367 = vector.broadcast %broadcast_in_dim3A_366 : vector<16x1xf32> to vector<16x8192xf32>
    %eq3A_368 = arith.cmpf oeq, %select_n3A_363, %eq3A_367 : vector<16x8192xf32>
    %jit3A_369 = arith.constant 8192 : i32
    %broadcast_in_dim3A_370 = vector.broadcast %jit3A_369 : i32 to vector<16x8192xi32>
    %select_n3A_371 = arith.select %eq3A_368, %iota3A, %broadcast_in_dim3A_370 : vector<16x8192xi1>, vector<16x8192xi32>
    %reduce_min3A_372 = arith.constant dense<2147483647> : vector<16xi32>
    %reduce_min3A_373 = vector.multi_reduction <minsi>, %select_n3A_371, %reduce_min3A_372 [1] : vector<16x8192xi32> to vector<16xi32>
    %broadcast_in_dim3A_374 = vector.shape_cast %reduce_min3A_373 : vector<16xi32> to vector<16x1xi32>
    %eq3A_375 = vector.broadcast %broadcast_in_dim3A_374 : vector<16x1xi32> to vector<16x8192xi32>
    %eq3A_376 = arith.cmpi eq, %iota3A, %eq3A_375 : vector<16x8192xi32>
    %jit3A_377 = arith.constant 0.000000e+00 : f32
    %broadcast_in_dim3A_378 = vector.broadcast %jit3A_377 : f32 to vector<16x8192xf32>
    %select_n3A_379 = arith.select %eq3A_376, %get3A_1, %broadcast_in_dim3A_378 : vector<16x8192xi1>, vector<16x8192xf32>
    %reduce_sum3A_380 = arith.constant dense<0.000000e+00> : vector<16xf32>
    %reduce_sum3A_381 = vector.multi_reduction <add>, %select_n3A_379, %reduce_sum3A_380 [1] : vector<16x8192xf32> to vector<16xf32>
    %broadcast_in_dim3A_382 = vector.shape_cast %reduce_sum3A_381 : vector<16xf32> to vector<16x1xf32>
    %jit3A_383 = arith.constant -3.000000e+38 : f32
    %broadcast_in_dim3A_384 = vector.broadcast %jit3A_383 : f32 to vector<16x8192xf32>
    %select_n3A_385 = arith.select %eq3A_376, %broadcast_in_dim3A_384, %select_n3A_363 : vector<16x8192xi1>, vector<16x8192xf32>
    %reduce_max3A_386 = arith.constant dense<0xFF800000> : vector<16xf32>
    %reduce_max3A_387 = vector.multi_reduction <maximumf>, %select_n3A_385, %reduce_max3A_386 [1] : vector<16x8192xf32> to vector<16xf32>
    %broadcast_in_dim3A_388 = vector.shape_cast %reduce_max3A_387 : vector<16xf32> to vector<16x1xf32>
    %eq3A_389 = vector.broadcast %broadcast_in_dim3A_388 : vector<16x1xf32> to vector<16x8192xf32>
    %eq3A_390 = arith.cmpf oeq, %select_n3A_385, %eq3A_389 : vector<16x8192xf32>
    %jit3A_391 = arith.constant 8192 : i32
    %broadcast_in_dim3A_392 = vector.broadcast %jit3A_391 : i32 to vector<16x8192xi32>
    %select_n3A_393 = arith.select %eq3A_390, %iota3A, %broadcast_in_dim3A_392 : vector<16x8192xi1>, vector<16x8192xi32>
    %reduce_min3A_394 = arith.constant dense<2147483647> : vector<16xi32>
    %reduce_min3A_395 = vector.multi_reduction <minsi>, %select_n3A_393, %reduce_min3A_394 [1] : vector<16x8192xi32> to vector<16xi32>
    %broadcast_in_dim3A_396 = vector.shape_cast %reduce_min3A_395 : vector<16xi32> to vector<16x1xi32>
    %eq3A_397 = vector.broadcast %broadcast_in_dim3A_396 : vector<16x1xi32> to vector<16x8192xi32>
    %eq3A_398 = arith.cmpi eq, %iota3A, %eq3A_397 : vector<16x8192xi32>
    %jit3A_399 = arith.constant 0.000000e+00 : f32
    %broadcast_in_dim3A_400 = vector.broadcast %jit3A_399 : f32 to vector<16x8192xf32>
    %select_n3A_401 = arith.select %eq3A_398, %get3A_1, %broadcast_in_dim3A_400 : vector<16x8192xi1>, vector<16x8192xf32>
    %reduce_sum3A_402 = arith.constant dense<0.000000e+00> : vector<16xf32>
    %reduce_sum3A_403 = vector.multi_reduction <add>, %select_n3A_401, %reduce_sum3A_402 [1] : vector<16x8192xf32> to vector<16xf32>
    %broadcast_in_dim3A_404 = vector.shape_cast %reduce_sum3A_403 : vector<16xf32> to vector<16x1xf32>
    %jit3A_405 = arith.constant -3.000000e+38 : f32
    %broadcast_in_dim3A_406 = vector.broadcast %jit3A_405 : f32 to vector<16x8192xf32>
    %select_n3A_407 = arith.select %eq3A_398, %broadcast_in_dim3A_406, %select_n3A_385 : vector<16x8192xi1>, vector<16x8192xf32>
    %reduce_max3A_408 = arith.constant dense<0xFF800000> : vector<16xf32>
    %reduce_max3A_409 = vector.multi_reduction <maximumf>, %select_n3A_407, %reduce_max3A_408 [1] : vector<16x8192xf32> to vector<16xf32>
    %broadcast_in_dim3A_410 = vector.shape_cast %reduce_max3A_409 : vector<16xf32> to vector<16x1xf32>
    %eq3A_411 = vector.broadcast %broadcast_in_dim3A_410 : vector<16x1xf32> to vector<16x8192xf32>
    %eq3A_412 = arith.cmpf oeq, %select_n3A_407, %eq3A_411 : vector<16x8192xf32>
    %jit3A_413 = arith.constant 8192 : i32
    %broadcast_in_dim3A_414 = vector.broadcast %jit3A_413 : i32 to vector<16x8192xi32>
    %select_n3A_415 = arith.select %eq3A_412, %iota3A, %broadcast_in_dim3A_414 : vector<16x8192xi1>, vector<16x8192xi32>
    %reduce_min3A_416 = arith.constant dense<2147483647> : vector<16xi32>
    %reduce_min3A_417 = vector.multi_reduction <minsi>, %select_n3A_415, %reduce_min3A_416 [1] : vector<16x8192xi32> to vector<16xi32>
    %broadcast_in_dim3A_418 = vector.shape_cast %reduce_min3A_417 : vector<16xi32> to vector<16x1xi32>
    %eq3A_419 = vector.broadcast %broadcast_in_dim3A_418 : vector<16x1xi32> to vector<16x8192xi32>
    %eq3A_420 = arith.cmpi eq, %iota3A, %eq3A_419 : vector<16x8192xi32>
    %jit3A_421 = arith.constant 0.000000e+00 : f32
    %broadcast_in_dim3A_422 = vector.broadcast %jit3A_421 : f32 to vector<16x8192xf32>
    %select_n3A_423 = arith.select %eq3A_420, %get3A_1, %broadcast_in_dim3A_422 : vector<16x8192xi1>, vector<16x8192xf32>
    %reduce_sum3A_424 = arith.constant dense<0.000000e+00> : vector<16xf32>
    %reduce_sum3A_425 = vector.multi_reduction <add>, %select_n3A_423, %reduce_sum3A_424 [1] : vector<16x8192xf32> to vector<16xf32>
    %broadcast_in_dim3A_426 = vector.shape_cast %reduce_sum3A_425 : vector<16xf32> to vector<16x1xf32>
    %jit3A_427 = arith.constant -3.000000e+38 : f32
    %broadcast_in_dim3A_428 = vector.broadcast %jit3A_427 : f32 to vector<16x8192xf32>
    %select_n3A_429 = arith.select %eq3A_420, %broadcast_in_dim3A_428, %select_n3A_407 : vector<16x8192xi1>, vector<16x8192xf32>
    %reduce_max3A_430 = arith.constant dense<0xFF800000> : vector<16xf32>
    %reduce_max3A_431 = vector.multi_reduction <maximumf>, %select_n3A_429, %reduce_max3A_430 [1] : vector<16x8192xf32> to vector<16xf32>
    %broadcast_in_dim3A_432 = vector.shape_cast %reduce_max3A_431 : vector<16xf32> to vector<16x1xf32>
    %eq3A_433 = vector.broadcast %broadcast_in_dim3A_432 : vector<16x1xf32> to vector<16x8192xf32>
    %eq3A_434 = arith.cmpf oeq, %select_n3A_429, %eq3A_433 : vector<16x8192xf32>
    %jit3A_435 = arith.constant 8192 : i32
    %broadcast_in_dim3A_436 = vector.broadcast %jit3A_435 : i32 to vector<16x8192xi32>
    %select_n3A_437 = arith.select %eq3A_434, %iota3A, %broadcast_in_dim3A_436 : vector<16x8192xi1>, vector<16x8192xi32>
    %reduce_min3A_438 = arith.constant dense<2147483647> : vector<16xi32>
    %reduce_min3A_439 = vector.multi_reduction <minsi>, %select_n3A_437, %reduce_min3A_438 [1] : vector<16x8192xi32> to vector<16xi32>
    %broadcast_in_dim3A_440 = vector.shape_cast %reduce_min3A_439 : vector<16xi32> to vector<16x1xi32>
    %eq3A_441 = vector.broadcast %broadcast_in_dim3A_440 : vector<16x1xi32> to vector<16x8192xi32>
    %eq3A_442 = arith.cmpi eq, %iota3A, %eq3A_441 : vector<16x8192xi32>
    %jit3A_443 = arith.constant 0.000000e+00 : f32
    %broadcast_in_dim3A_444 = vector.broadcast %jit3A_443 : f32 to vector<16x8192xf32>
    %select_n3A_445 = arith.select %eq3A_442, %get3A_1, %broadcast_in_dim3A_444 : vector<16x8192xi1>, vector<16x8192xf32>
    %reduce_sum3A_446 = arith.constant dense<0.000000e+00> : vector<16xf32>
    %reduce_sum3A_447 = vector.multi_reduction <add>, %select_n3A_445, %reduce_sum3A_446 [1] : vector<16x8192xf32> to vector<16xf32>
    %broadcast_in_dim3A_448 = vector.shape_cast %reduce_sum3A_447 : vector<16xf32> to vector<16x1xf32>
    %neg3A_449 = arith.constant 0.000000e+00 : f32
    %neg3A_450 = vector.broadcast %neg3A_449 : f32 to vector<16x1xf32>
    %neg3A_451 = arith.subf %neg3A_450, %broadcast_in_dim3A : vector<16x1xf32>
    %neg3A_452 = arith.constant 0.000000e+00 : f32
    %neg3A_453 = vector.broadcast %neg3A_452 : f32 to vector<16x1xf32>
    %neg3A_454 = arith.subf %neg3A_453, %broadcast_in_dim3A_16 : vector<16x1xf32>
    %neg3A_455 = arith.constant 0.000000e+00 : f32
    %neg3A_456 = vector.broadcast %neg3A_455 : f32 to vector<16x1xf32>
    %neg3A_457 = arith.subf %neg3A_456, %broadcast_in_dim3A_32 : vector<16x1xf32>
    %neg3A_458 = arith.constant 0.000000e+00 : f32
    %neg3A_459 = vector.broadcast %neg3A_458 : f32 to vector<16x1xf32>
    %neg3A_460 = arith.subf %neg3A_459, %broadcast_in_dim3A_48 : vector<16x1xf32>
    %neg3A_461 = arith.constant 0.000000e+00 : f32
    %neg3A_462 = vector.broadcast %neg3A_461 : f32 to vector<16x1xf32>
    %neg3A_463 = arith.subf %neg3A_462, %broadcast_in_dim3A_64 : vector<16x1xf32>
    %concatenate3A = tpu.concatenate %broadcast_in_dim3A_8, %broadcast_in_dim3A_24, %broadcast_in_dim3A_40, %broadcast_in_dim3A_56, %broadcast_in_dim3A_72, %broadcast_in_dim3A_83, %broadcast_in_dim3A_99, %broadcast_in_dim3A_115, %broadcast_in_dim3A_131, %broadcast_in_dim3A_147, %broadcast_in_dim3A_163, %broadcast_in_dim3A_179, %broadcast_in_dim3A_195, %broadcast_in_dim3A_211, %broadcast_in_dim3A_227, %broadcast_in_dim3A_243, %broadcast_in_dim3A_264, %broadcast_in_dim3A_286, %broadcast_in_dim3A_308, %broadcast_in_dim3A_330, %broadcast_in_dim3A_352, %broadcast_in_dim3A_374, %broadcast_in_dim3A_396, %broadcast_in_dim3A_418, %broadcast_in_dim3A_440 in 1 : vector<16x1xi32>, vector<16x1xi32>, vector<16x1xi32>, vector<16x1xi32>, vector<16x1xi32>, vector<16x1xi32>, vector<16x1xi32>, vector<16x1xi32>, vector<16x1xi32>, vector<16x1xi32>, vector<16x1xi32>, vector<16x1xi32>, vector<16x1xi32>, vector<16x1xi32>, vector<16x1xi32>, vector<16x1xi32>, vector<16x1xi32>, vector<16x1xi32>, vector<16x1xi32>, vector<16x1xi32>, vector<16x1xi32>, vector<16x1xi32>, vector<16x1xi32>, vector<16x1xi32>, vector<16x1xi32> -> vector<16x25xi32>
    %concatenate3A_464 = tpu.concatenate %neg3A_451, %neg3A_454, %neg3A_457, %neg3A_460, %neg3A_463, %broadcast_in_dim3A_75, %broadcast_in_dim3A_91, %broadcast_in_dim3A_107, %broadcast_in_dim3A_123, %broadcast_in_dim3A_139, %broadcast_in_dim3A_155, %broadcast_in_dim3A_171, %broadcast_in_dim3A_187, %broadcast_in_dim3A_203, %broadcast_in_dim3A_219, %broadcast_in_dim3A_250, %broadcast_in_dim3A_272, %broadcast_in_dim3A_294, %broadcast_in_dim3A_316, %broadcast_in_dim3A_338, %broadcast_in_dim3A_360, %broadcast_in_dim3A_382, %broadcast_in_dim3A_404, %broadcast_in_dim3A_426, %broadcast_in_dim3A_448 in 1 : vector<16x1xf32>, vector<16x1xf32>, vector<16x1xf32>, vector<16x1xf32>, vector<16x1xf32>, vector<16x1xf32>, vector<16x1xf32>, vector<16x1xf32>, vector<16x1xf32>, vector<16x1xf32>, vector<16x1xf32>, vector<16x1xf32>, vector<16x1xf32>, vector<16x1xf32>, vector<16x1xf32>, vector<16x1xf32>, vector<16x1xf32>, vector<16x1xf32>, vector<16x1xf32>, vector<16x1xf32>, vector<16x1xf32>, vector<16x1xf32>, vector<16x1xf32>, vector<16x1xf32>, vector<16x1xf32> -> vector<16x25xf32>
    %broadcast_in_dim3A_465 = arith.constant 0 : i32
    %broadcast_in_dim3A_466 = vector.broadcast %broadcast_in_dim3A_465 : i32 to vector<16x103xi32>
    %broadcast_in_dim3A_467 = arith.constant 0.000000e+00 : f32
    %broadcast_in_dim3A_468 = vector.broadcast %broadcast_in_dim3A_467 : f32 to vector<16x103xf32>
    %concatenate3A_469 = tpu.concatenate %concatenate3A, %broadcast_in_dim3A_466 in 1 : vector<16x25xi32>, vector<16x103xi32> -> vector<16x128xi32>
    %swap3A = arith.constant 0 : index
    %swap3A_470 = arith.constant 0 : index
    %swap3A_471 = vector.load %arg1[%swap3A, %swap3A_470] : memref<16x128xi32, #tpu.memory_space<vmem>>, vector<16x128xi32>
    tpu.vector_store %arg1[%swap3A, %swap3A_470], %concatenate3A_469 {strides = array<i32>} : memref<16x128xi32, #tpu.memory_space<vmem>>, vector<16x128xi32>,
    %concatenate3A_472 = tpu.concatenate %concatenate3A_464, %broadcast_in_dim3A_468 in 1 : vector<16x25xf32>, vector<16x103xf32> -> vector<16x128xf32>
    %swap3A_473 = arith.constant 0 : index
    %swap3A_474 = arith.constant 0 : index
    %swap3A_475 = vector.load %arg2[%swap3A_473, %swap3A_474] : memref<16x128xf32, #tpu.memory_space<vmem>>, vector<16x128xf32>
    tpu.vector_store %arg2[%swap3A_473, %swap3A_474], %concatenate3A_472 {strides = array<i32>} : memref<16x128xf32, #tpu.memory_space<vmem>>, vector<16x128xf32>,
    %iota3A_476 = tpu.iota {dimensions = array<i32: 0>} : vector<16x1xi32>
    %mul3A = arith.constant 8192 : i32
    %mul3A_477 = vector.broadcast %mul3A : i32 to vector<16x1xi32>
    %mul3A_478 = arith.muli %iota3A_476, %mul3A_477 : vector<16x1xi32>
    %broadcast_in_dim3A_479 = arith.constant 0 : i32
    %broadcast_in_dim3A_480 = vector.broadcast %broadcast_in_dim3A_479 : i32 to vector<16x1xi32>
    %add3A = arith.addi %broadcast_in_dim3A_8, %mul3A_478 : vector<16x1xi32>
    %add3A_481 = arith.addi %broadcast_in_dim3A_24, %mul3A_478 : vector<16x1xi32>
    %add3A_482 = arith.addi %broadcast_in_dim3A_40, %mul3A_478 : vector<16x1xi32>
    %add3A_483 = arith.addi %broadcast_in_dim3A_56, %mul3A_478 : vector<16x1xi32>
    %add3A_484 = arith.addi %broadcast_in_dim3A_72, %mul3A_478 : vector<16x1xi32>
    %add3A_485 = arith.addi %broadcast_in_dim3A_83, %mul3A_478 : vector<16x1xi32>
    %add3A_486 = arith.addi %broadcast_in_dim3A_99, %mul3A_478 : vector<16x1xi32>
    %add3A_487 = arith.addi %broadcast_in_dim3A_115, %mul3A_478 : vector<16x1xi32>
    %add3A_488 = arith.addi %broadcast_in_dim3A_131, %mul3A_478 : vector<16x1xi32>
    %add3A_489 = arith.addi %broadcast_in_dim3A_147, %mul3A_478 : vector<16x1xi32>
    %add3A_490 = arith.addi %broadcast_in_dim3A_163, %mul3A_478 : vector<16x1xi32>
    %add3A_491 = arith.addi %broadcast_in_dim3A_179, %mul3A_478 : vector<16x1xi32>
    %add3A_492 = arith.addi %broadcast_in_dim3A_195, %mul3A_478 : vector<16x1xi32>
    %add3A_493 = arith.addi %broadcast_in_dim3A_211, %mul3A_478 : vector<16x1xi32>
    %add3A_494 = arith.addi %broadcast_in_dim3A_227, %mul3A_478 : vector<16x1xi32>
    %concatenate3A_495 = tpu.concatenate %add3A, %add3A_481, %add3A_482, %add3A_483, %add3A_484, %add3A_485, %add3A_486, %add3A_487, %add3A_488, %add3A_489, %add3A_490, %add3A_491, %add3A_492, %add3A_493, %add3A_494, %broadcast_in_dim3A_480, %broadcast_in_dim3A_480, %broadcast_in_dim3A_480, %broadcast_in_dim3A_480, %broadcast_in_dim3A_480, %broadcast_in_dim3A_480, %broadcast_in_dim3A_480, %broadcast_in_dim3A_480, %broadcast_in_dim3A_480, %broadcast_in_dim3A_480, %broadcast_in_dim3A_480, %broadcast_in_dim3A_480, %broadcast_in_dim3A_480, %broadcast_in_dim3A_480, %broadcast_in_dim3A_480, %broadcast_in_dim3A_480, %broadcast_in_dim3A_480, %broadcast_in_dim3A_480, %broadcast_in_dim3A_480, %broadcast_in_dim3A_480, %broadcast_in_dim3A_480, %broadcast_in_dim3A_480, %broadcast_in_dim3A_480, %broadcast_in_dim3A_480, %broadcast_in_dim3A_480, %broadcast_in_dim3A_480, %broadcast_in_dim3A_480, %broadcast_in_dim3A_480, %broadcast_in_dim3A_480, %broadcast_in_dim3A_480, %broadcast_in_dim3A_480, %broadcast_in_dim3A_480, %broadcast_in_dim3A_480, %broadcast_in_dim3A_480, %broadcast_in_dim3A_480, %broadcast_in_dim3A_480, %broadcast_in_dim3A_480, %broadcast_in_dim3A_480, %broadcast_in_dim3A_480, %broadcast_in_dim3A_480, %broadcast_in_dim3A_480, %broadcast_in_dim3A_480, %broadcast_in_dim3A_480, %broadcast_in_dim3A_480, %broadcast_in_dim3A_480, %broadcast_in_dim3A_480, %broadcast_in_dim3A_480, %broadcast_in_dim3A_480, %broadcast_in_dim3A_480, %broadcast_in_dim3A_480, %broadcast_in_dim3A_480, %broadcast_in_dim3A_480, %broadcast_in_dim3A_480, %broadcast_in_dim3A_480, %broadcast_in_dim3A_480, %broadcast_in_dim3A_480, %broadcast_in_dim3A_480, %broadcast_in_dim3A_480, %broadcast_in_dim3A_480, %broadcast_in_dim3A_480, %broadcast_in_dim3A_480, %broadcast_in_dim3A_480, %broadcast_in_dim3A_480, %broadcast_in_dim3A_480, %broadcast_in_dim3A_480, %broadcast_in_dim3A_480, %broadcast_in_dim3A_480, %broadcast_in_dim3A_480, %broadcast_in_dim3A_480, %broadcast_in_dim3A_480, %broadcast_in_dim3A_480, %broadcast_in_dim3A_480, %broadcast_in_dim3A_480, %broadcast_in_dim3A_480, %broadcast_in_dim3A_480, %broadcast_in_dim3A_480, %broadcast_in_dim3A_480, %broadcast_in_dim3A_480, %broadcast_in_dim3A_480, %broadcast_in_dim3A_480, %broadcast_in_dim3A_480, %broadcast_in_dim3A_480, %broadcast_in_dim3A_480, %broadcast_in_dim3A_480, %broadcast_in_dim3A_480, %broadcast_in_dim3A_480, %broadcast_in_dim3A_480, %broadcast_in_dim3A_480, %broadcast_in_dim3A_480, %broadcast_in_dim3A_480, %broadcast_in_dim3A_480, %broadcast_in_dim3A_480, %broadcast_in_dim3A_480, %broadcast_in_dim3A_480, %broadcast_in_dim3A_480, %broadcast_in_dim3A_480, %broadcast_in_dim3A_480, %broadcast_in_dim3A_480, %broadcast_in_dim3A_480, %broadcast_in_dim3A_480, %broadcast_in_dim3A_480, %broadcast_in_dim3A_480, %broadcast_in_dim3A_480, %broadcast_in_dim3A_480, %broadcast_in_dim3A_480, %broadcast_in_dim3A_480, %broadcast_in_dim3A_480, %broadcast_in_dim3A_480, %broadcast_in_dim3A_480, %broadcast_in_dim3A_480, %broadcast_in_dim3A_480, %broadcast_in_dim3A_480, %broadcast_in_dim3A_480 in 1 : vector<16x1xi32>, vector<16x1xi32>, vector<16x1xi32>, vector<16x1xi32>, vector<16x1xi32>, vector<16x1xi32>, vector<16x1xi32>, vector<16x1xi32>, vector<16x1xi32>, vector<16x1xi32>, vector<16x1xi32>, vector<16x1xi32>, vector<16x1xi32>, vector<16x1xi32>, vector<16x1xi32>, vector<16x1xi32>, vector<16x1xi32>, vector<16x1xi32>, vector<16x1xi32>, vector<16x1xi32>, vector<16x1xi32>, vector<16x1xi32>, vector<16x1xi32>, vector<16x1xi32>, vector<16x1xi32>, vector<16x1xi32>, vector<16x1xi32>, vector<16x1xi32>, vector<16x1xi32>, vector<16x1xi32>, vector<16x1xi32>, vector<16x1xi32>, vector<16x1xi32>, vector<16x1xi32>, vector<16x1xi32>, vector<16x1xi32>, vector<16x1xi32>, vector<16x1xi32>, vector<16x1xi32>, vector<16x1xi32>, vector<16x1xi32>, vector<16x1xi32>, vector<16x1xi32>, vector<16x1xi32>, vector<16x1xi32>, vector<16x1xi32>, vector<16x1xi32>, vector<16x1xi32>, vector<16x1xi32>, vector<16x1xi32>, vector<16x1xi32>, vector<16x1xi32>, vector<16x1xi32>, vector<16x1xi32>, vector<16x1xi32>, vector<16x1xi32>, vector<16x1xi32>, vector<16x1xi32>, vector<16x1xi32>, vector<16x1xi32>, vector<16x1xi32>, vector<16x1xi32>, vector<16x1xi32>, vector<16x1xi32>, vector<16x1xi32>, vector<16x1xi32>, vector<16x1xi32>, vector<16x1xi32>, vector<16x1xi32>, vector<16x1xi32>, vector<16x1xi32>, vector<16x1xi32>, vector<16x1xi32>, vector<16x1xi32>, vector<16x1xi32>, vector<16x1xi32>, vector<16x1xi32>, vector<16x1xi32>, vector<16x1xi32>, vector<16x1xi32>, vector<16x1xi32>, vector<16x1xi32>, vector<16x1xi32>, vector<16x1xi32>, vector<16x1xi32>, vector<16x1xi32>, vector<16x1xi32>, vector<16x1xi32>, vector<16x1xi32>, vector<16x1xi32>, vector<16x1xi32>, vector<16x1xi32>, vector<16x1xi32>, vector<16x1xi32>, vector<16x1xi32>, vector<16x1xi32>, vector<16x1xi32>, vector<16x1xi32>, vector<16x1xi32>, vector<16x1xi32>, vector<16x1xi32>, vector<16x1xi32>, vector<16x1xi32>, vector<16x1xi32>, vector<16x1xi32>, vector<16x1xi32>, vector<16x1xi32>, vector<16x1xi32>, vector<16x1xi32>, vector<16x1xi32>, vector<16x1xi32>, vector<16x1xi32>, vector<16x1xi32>, vector<16x1xi32>, vector<16x1xi32>, vector<16x1xi32>, vector<16x1xi32>, vector<16x1xi32>, vector<16x1xi32>, vector<16x1xi32>, vector<16x1xi32>, vector<16x1xi32>, vector<16x1xi32>, vector<16x1xi32>, vector<16x1xi32>, vector<16x1xi32>, vector<16x1xi32>, vector<16x1xi32> -> vector<16x128xi32>
    %add3A_496 = arith.addi %broadcast_in_dim3A_243, %mul3A_478 : vector<16x1xi32>
    %add3A_497 = arith.addi %broadcast_in_dim3A_264, %mul3A_478 : vector<16x1xi32>
    %add3A_498 = arith.addi %broadcast_in_dim3A_286, %mul3A_478 : vector<16x1xi32>
    %add3A_499 = arith.addi %broadcast_in_dim3A_308, %mul3A_478 : vector<16x1xi32>
    %add3A_500 = arith.addi %broadcast_in_dim3A_330, %mul3A_478 : vector<16x1xi32>
    %add3A_501 = arith.addi %broadcast_in_dim3A_352, %mul3A_478 : vector<16x1xi32>
    %add3A_502 = arith.addi %broadcast_in_dim3A_374, %mul3A_478 : vector<16x1xi32>
    %add3A_503 = arith.addi %broadcast_in_dim3A_396, %mul3A_478 : vector<16x1xi32>
    %add3A_504 = arith.addi %broadcast_in_dim3A_418, %mul3A_478 : vector<16x1xi32>
    %add3A_505 = arith.addi %broadcast_in_dim3A_440, %mul3A_478 : vector<16x1xi32>
    %concatenate3A_506 = tpu.concatenate %add3A_496, %add3A_497, %add3A_498, %add3A_499, %add3A_500, %add3A_501, %add3A_502, %add3A_503, %add3A_504, %add3A_505, %broadcast_in_dim3A_480, %broadcast_in_dim3A_480, %broadcast_in_dim3A_480, %broadcast_in_dim3A_480, %broadcast_in_dim3A_480, %broadcast_in_dim3A_480, %broadcast_in_dim3A_480, %broadcast_in_dim3A_480, %broadcast_in_dim3A_480, %broadcast_in_dim3A_480, %broadcast_in_dim3A_480, %broadcast_in_dim3A_480, %broadcast_in_dim3A_480, %broadcast_in_dim3A_480, %broadcast_in_dim3A_480, %broadcast_in_dim3A_480, %broadcast_in_dim3A_480, %broadcast_in_dim3A_480, %broadcast_in_dim3A_480, %broadcast_in_dim3A_480, %broadcast_in_dim3A_480, %broadcast_in_dim3A_480, %broadcast_in_dim3A_480, %broadcast_in_dim3A_480, %broadcast_in_dim3A_480, %broadcast_in_dim3A_480, %broadcast_in_dim3A_480, %broadcast_in_dim3A_480, %broadcast_in_dim3A_480, %broadcast_in_dim3A_480, %broadcast_in_dim3A_480, %broadcast_in_dim3A_480, %broadcast_in_dim3A_480, %broadcast_in_dim3A_480, %broadcast_in_dim3A_480, %broadcast_in_dim3A_480, %broadcast_in_dim3A_480, %broadcast_in_dim3A_480, %broadcast_in_dim3A_480, %broadcast_in_dim3A_480, %broadcast_in_dim3A_480, %broadcast_in_dim3A_480, %broadcast_in_dim3A_480, %broadcast_in_dim3A_480, %broadcast_in_dim3A_480, %broadcast_in_dim3A_480, %broadcast_in_dim3A_480, %broadcast_in_dim3A_480, %broadcast_in_dim3A_480, %broadcast_in_dim3A_480, %broadcast_in_dim3A_480, %broadcast_in_dim3A_480, %broadcast_in_dim3A_480, %broadcast_in_dim3A_480, %broadcast_in_dim3A_480, %broadcast_in_dim3A_480, %broadcast_in_dim3A_480, %broadcast_in_dim3A_480, %broadcast_in_dim3A_480, %broadcast_in_dim3A_480, %broadcast_in_dim3A_480, %broadcast_in_dim3A_480, %broadcast_in_dim3A_480, %broadcast_in_dim3A_480, %broadcast_in_dim3A_480, %broadcast_in_dim3A_480, %broadcast_in_dim3A_480, %broadcast_in_dim3A_480, %broadcast_in_dim3A_480, %broadcast_in_dim3A_480, %broadcast_in_dim3A_480, %broadcast_in_dim3A_480, %broadcast_in_dim3A_480, %broadcast_in_dim3A_480, %broadcast_in_dim3A_480, %broadcast_in_dim3A_480, %broadcast_in_dim3A_480, %broadcast_in_dim3A_480, %broadcast_in_dim3A_480, %broadcast_in_dim3A_480, %broadcast_in_dim3A_480, %broadcast_in_dim3A_480, %broadcast_in_dim3A_480, %broadcast_in_dim3A_480, %broadcast_in_dim3A_480, %broadcast_in_dim3A_480, %broadcast_in_dim3A_480, %broadcast_in_dim3A_480, %broadcast_in_dim3A_480, %broadcast_in_dim3A_480, %broadcast_in_dim3A_480, %broadcast_in_dim3A_480, %broadcast_in_dim3A_480, %broadcast_in_dim3A_480, %broadcast_in_dim3A_480, %broadcast_in_dim3A_480, %broadcast_in_dim3A_480, %broadcast_in_dim3A_480, %broadcast_in_dim3A_480, %broadcast_in_dim3A_480, %broadcast_in_dim3A_480, %broadcast_in_dim3A_480, %broadcast_in_dim3A_480, %broadcast_in_dim3A_480, %broadcast_in_dim3A_480, %broadcast_in_dim3A_480, %broadcast_in_dim3A_480, %broadcast_in_dim3A_480, %broadcast_in_dim3A_480, %broadcast_in_dim3A_480, %broadcast_in_dim3A_480, %broadcast_in_dim3A_480, %broadcast_in_dim3A_480, %broadcast_in_dim3A_480, %broadcast_in_dim3A_480, %broadcast_in_dim3A_480, %broadcast_in_dim3A_480, %broadcast_in_dim3A_480 in 1 : vector<16x1xi32>, vector<16x1xi32>, vector<16x1xi32>, vector<16x1xi32>, vector<16x1xi32>, vector<16x1xi32>, vector<16x1xi32>, vector<16x1xi32>, vector<16x1xi32>, vector<16x1xi32>, vector<16x1xi32>, vector<16x1xi32>, vector<16x1xi32>, vector<16x1xi32>, vector<16x1xi32>, vector<16x1xi32>, vector<16x1xi32>, vector<16x1xi32>, vector<16x1xi32>, vector<16x1xi32>, vector<16x1xi32>, vector<16x1xi32>, vector<16x1xi32>, vector<16x1xi32>, vector<16x1xi32>, vector<16x1xi32>, vector<16x1xi32>, vector<16x1xi32>, vector<16x1xi32>, vector<16x1xi32>, vector<16x1xi32>, vector<16x1xi32>, vector<16x1xi32>, vector<16x1xi32>, vector<16x1xi32>, vector<16x1xi32>, vector<16x1xi32>, vector<16x1xi32>, vector<16x1xi32>, vector<16x1xi32>, vector<16x1xi32>, vector<16x1xi32>, vector<16x1xi32>, vector<16x1xi32>, vector<16x1xi32>, vector<16x1xi32>, vector<16x1xi32>, vector<16x1xi32>, vector<16x1xi32>, vector<16x1xi32>, vector<16x1xi32>, vector<16x1xi32>, vector<16x1xi32>, vector<16x1xi32>, vector<16x1xi32>, vector<16x1xi32>, vector<16x1xi32>, vector<16x1xi32>, vector<16x1xi32>, vector<16x1xi32>, vector<16x1xi32>, vector<16x1xi32>, vector<16x1xi32>, vector<16x1xi32>, vector<16x1xi32>, vector<16x1xi32>, vector<16x1xi32>, vector<16x1xi32>, vector<16x1xi32>, vector<16x1xi32>, vector<16x1xi32>, vector<16x1xi32>, vector<16x1xi32>, vector<16x1xi32>, vector<16x1xi32>, vector<16x1xi32>, vector<16x1xi32>, vector<16x1xi32>, vector<16x1xi32>, vector<16x1xi32>, vector<16x1xi32>, vector<16x1xi32>, vector<16x1xi32>, vector<16x1xi32>, vector<16x1xi32>, vector<16x1xi32>, vector<16x1xi32>, vector<16x1xi32>, vector<16x1xi32>, vector<16x1xi32>, vector<16x1xi32>, vector<16x1xi32>, vector<16x1xi32>, vector<16x1xi32>, vector<16x1xi32>, vector<16x1xi32>, vector<16x1xi32>, vector<16x1xi32>, vector<16x1xi32>, vector<16x1xi32>, vector<16x1xi32>, vector<16x1xi32>, vector<16x1xi32>, vector<16x1xi32>, vector<16x1xi32>, vector<16x1xi32>, vector<16x1xi32>, vector<16x1xi32>, vector<16x1xi32>, vector<16x1xi32>, vector<16x1xi32>, vector<16x1xi32>, vector<16x1xi32>, vector<16x1xi32>, vector<16x1xi32>, vector<16x1xi32>, vector<16x1xi32>, vector<16x1xi32>, vector<16x1xi32>, vector<16x1xi32>, vector<16x1xi32>, vector<16x1xi32>, vector<16x1xi32>, vector<16x1xi32>, vector<16x1xi32>, vector<16x1xi32>, vector<16x1xi32>, vector<16x1xi32> -> vector<16x128xi32>
    %concatenate3A_507 = tpu.concatenate %concatenate3A_495, %concatenate3A_506 in 0 : vector<16x128xi32>, vector<16x128xi32> -> vector<32x128xi32>
    %swap3A_508 = arith.constant 0 : index
    %swap3A_509 = arith.constant 0 : index
    %swap3A_510 = vector.load %arg3[%swap3A_508, %swap3A_509] : memref<32x128xi32, #tpu.memory_space<vmem>>, vector<32x128xi32>
    tpu.vector_store %arg3[%swap3A_508, %swap3A_509], %concatenate3A_507 {strides = array<i32>} : memref<32x128xi32, #tpu.memory_space<vmem>>, vector<32x128xi32>,
    return
  }
}

</mosaic_0001>

<sc_bundles>
// kernel: kernel.4.cloned.1.call-start
scs
__scs_entry_jumppad:
0x0: {  	(pc) =	sbr.rel $0x88, $3  }
0x1: {  	(tag) =	ssettag $0x0;
	lr =	simm.s32 $0x1  }
0x2: {  	[smem:$0x3F9F] =	sst lr;
	_ =	strace $0xD0000000  }
0x3: {  	_ = 	snop  }
0x4: {  	_ = 	snop  }
0x5: {  	_ = 	snop  }
0x6: {  	_ = 	snop  }
0x7: {  	_ = 	snop  }
__scs_overlays_trampoline_lowered:
0x8: {  	[smem:$0x3FAE] =	sst s0  }
0x9: {  	[smem:$0x3FAF] =	sst s1  }
0xa: {  	[smem:$0x3FB0] =	sst s2  }
0xb: {  	[smem:$0x3FB1] =	sst s3  }
0xc: {  	[smem:$0x3FB2] =	sst s4  }
0xd: {  	[smem:$0x3FB3] =	sst s5  }
0xe: {  	[smem:$0x3FB4] =	sst s6  }
0xf: {  	[smem:$0x3FB5] =	sst s7  }
0x10: {  	[smem:$0x3FB6] =	sst s8  }
0x11: {  	[smem:$0x3FB7] =	sst s9;
	s0 =	simm.s32 @!p0 $0x0  }
0x12: {  	s1 =	sld [smem:$0x3F9D];
	s0 =	simm.s32 @p0 $0x1  }
0x13: {  	[smem:$0x3FB8] =	sst s0;
	s0 =	simm.s32 @!p1 $0x0  }
0x14: {  	s2 =	sld [smem:$0x3F9C];
	s0 =	simm.s32 @p1 $0x1  }
0x15: {  	[smem:$0x3FB9] =	sst s0;
	s0 =	simm.s32 @!p2 $0x0  }
0x16: {  	s3 =	sld [smem:$0x3FDB];
	s0 =	simm.s32 @p2 $0x1  }
0x17: {  	s4 =	simm.s32 $0x1BF5;
	[smem:$0x3FBB] =	sst s0  }
0x18: {  	s0 =	sld [smem:$0x3F9E];
	_ =	swait.ge [sflag:s4], $0x0  }
0x19: {  	s7 =	sld [smem:$0x3F9F]  }
0x1a: {  	s8 =	sadd.s32 $0xFFFFE003, lr  }
0x1b: {  	s9 =	sadd.s32 $0xFFFFFEF7, lr;
	s5 =	simm.s32 $0xFFFFFFFF;
	p2 =	slt.u32 s8, $0xFFFFF086  }
0x1c: {  	p1 =	slt.u32 s9, $0xF7A;
	s5 =	simm.s32 @!p2 $0x0  }
0x1d: {  	s5 =	simm.s32 @p1 $0x1;
	p0 =	seq.s32 s7, s2  }
0x1e: {  	s7 =	smul.u32 @!p0 $0xF7A, s2;
	p2 =	seq.s32 @!p0 s5, $0x0  }
0x1f: {  	s9 =	smul.u32 $0xF7A, s1;
	s8 =	simm.s32 @!p0 $0x1BF5;
	p2 =	por !p2, p0  }
0x20: {  	[sflag:s8] =	ssyncset.s32 @!p0 $0xFFFFF086;
	s6 =	sadd.s32 @!p0 s3, s7;
	s7 =	simm.s32 @!p0 $0x108  }
0x21: {  	s3 =	sadd.s32 s3, s9;
	s6 =	sadd.s32 @!p0 $0x88, s6;
	s7 =	simm.s32 @p2 $0x1082  }
0x22: {  	[simem:s7], [sflag:s8] =	dma.local @!p0 [hbm:s6], $0xF7A  }
0x23: {  	s9 =	sor.u32 $0xD0000000, s2;
	s6 =	simm.s32 $0x108;
	_ =	swait.ge @!p0 [sflag:s8], $0x0  }
0x24: {  	s3 =	sadd.s32 $0x88, s3;
	s6 =	simm.s32 @!p1 $0x1082;
	[sflag:s4] =	ssyncset.s32 $0xFFFFF086  }
0x25: {  	[simem:s6], [sflag:s4] =	dma.local [hbm:s3], $0xF7A  }
0x26: {  	[smem:$0x3F9F] =	sst s1;
	(tag) =	ssettag s2;
	_ =	strace s9  }
0x27: {  	s1 =	sld [smem:$0x3FAF]  }
0x28: {  	s2 =	sld [smem:$0x3FB0]  }
0x29: {  	s4 =	sld [smem:$0x3FB2]  }
0x2a: {  	p0 =	seq.s32 s5, $0x0;
	s5 =	sld [smem:$0x3FB3]  }
0x2b: {  	s6 =	sld [smem:$0x3FB4]  }
0x2c: {  	s7 =	sld [smem:$0x3FB5]  }
0x2d: {  	s3 =	simm.s32 $0x108;
	s8 =	sld [smem:$0x3FB6]  }
0x2e: {  	s3 =	simm.s32 @!p0 $0x1082;
	s9 =	sld [smem:$0x3FB7]  }
0x2f: {  	lr =	sadd.s32 s0, s3;
	s0 =	sld [smem:$0x3FAE]  }
0x30: {  	s3 =	sld [smem:$0x3FB1]  }
0x31: {  	[smem:$0x3FBA] =	sst s10  }
0x32: {  	s10 =	sld [smem:$0x3FB8];
	_ =	sdelay $0x3  }
0x33: {  	p0 =	seq.s32 s10, $0x1;
	s10 =	sld [smem:$0x3FBA];
	_ =	sdelay $0x3  }
0x34: {  	[smem:$0x3FBA] =	sst s10  }
0x35: {  	s10 =	sld [smem:$0x3FB9];
	_ =	sdelay $0x3  }
0x36: {  	p1 =	seq.s32 s10, $0x1;
	s10 =	sld [smem:$0x3FBA];
	_ =	sdelay $0x3  }
0x37: {  	[smem:$0x3FBA] =	sst s10  }
0x38: {  	s10 =	sld [smem:$0x3FBB]  }
0x39: {  	_ = 	snop;
	(pc) =	sbr.ind lr, $3  }
0x3a: {  	_ = 	snop  }
0x3b: {  	_ = 	snop  }
0x3c: {  	p2 =	seq.s32 s10, $0x1;
	s10 =	sld [smem:$0x3FBA]  }
0x3d: {  	_ =	shalt  }
0x3e: {  	_ =	shalt  }
0x3f: {  	_ =	shalt  }
0x40: {  	_ =	shalt  }
0x41: {  	_ =	shalt  }
0x42: {  	_ =	shalt  }
0x43: {  	_ =	shalt  }
0x44: {  	_ =	shalt  }
0x45: {  	_ =	shalt  }
0x46: {  	_ =	shalt  }
0x47: {  	_ =	shalt  }
0x48: {  	_ =	shalt  }
0x49: {  	_ =	shalt  }
0x4a: {  	_ =	shalt  }
0x4b: {  	_ =	shalt  }
0x4c: {  	_ =	shalt  }
0x4d: {  	_ =	shalt  }
0x4e: {  	_ =	shalt  }
0x4f: {  	_ =	shalt  }
0x50: {  	_ =	shalt  }
0x51: {  	_ =	shalt  }
0x52: {  	_ =	shalt  }
0x53: {  	_ =	shalt  }
0x54: {  	_ =	shalt  }
0x55: {  	_ =	shalt  }
0x56: {  	_ =	shalt  }
0x57: {  	_ =	shalt  }
0x58: {  	_ =	shalt  }
0x59: {  	_ =	shalt  }
0x5a: {  	_ =	shalt  }
0x5b: {  	_ =	shalt  }
0x5c: {  	_ =	shalt  }
0x5d: {  	_ =	shalt  }
0x5e: {  	_ =	shalt  }
0x5f: {  	_ =	shalt  }
0x60: {  	_ =	shalt  }
0x61: {  	_ =	shalt  }
0x62: {  	_ =	shalt  }
0x63: {  	_ =	shalt  }
0x64: {  	_ =	shalt  }
0x65: {  	_ =	shalt  }
0x66: {  	_ =	shalt  }
0x67: {  	_ =	shalt  }
0x68: {  	_ =	shalt  }
0x69: {  	_ =	shalt  }
0x6a: {  	_ =	shalt  }
0x6b: {  	_ =	shalt  }
0x6c: {  	_ =	shalt  }
0x6d: {  	_ =	shalt  }
0x6e: {  	_ =	shalt  }
0x6f: {  	_ =	shalt  }
0x70: {  	_ =	shalt  }
0x71: {  	_ =	shalt  }
0x72: {  	_ =	shalt  }
0x73: {  	_ =	shalt  }
0x74: {  	_ =	shalt  }
0x75: {  	_ =	shalt  }
0x76: {  	_ =	shalt  }
0x77: {  	_ =	shalt  }
0x78: {  	_ =	shalt  }
0x79: {  	_ =	shalt  }
0x7a: {  	_ =	shalt  }
0x7b: {  	_ =	shalt  }
0x7c: {  	_ =	shalt  }
0x7d: {  	_ =	shalt  }
0x7e: {  	_ =	shalt  }
0x7f: {  	_ =	shalt  }
0x80: {  	_ =	shalt  }
0x81: {  	_ =	shalt  }
0x82: {  	_ =	shalt  }
0x83: {  	_ =	shalt  }
0x84: {  	_ =	shalt  }
0x85: {  	_ =	shalt  }
0x86: {  	_ =	shalt  }
0x87: {  	_ =	shalt  }
.Lfunc_end0:
.L_simem_size_0:
called_computation_lowered:
.L_overlay_start_0:
0x88: {  	s0 =	sld [smem:$0x3FD9]  }
0x89: {  	s1 =	sld [smem:$0x3FFE];
	_ =	sdelay $0x3  }
0x8a: {  	s0 =	sadd.s32 s1, s0  }
0x8b: {  	[smem:$0x3FC6] =	sst s0  }
0x8c: {  	_ = 	snop  }
0x8d: {  	s0 =	sld [smem:$0x3FD0];
	_ =	sdelay $0x2  }
0x8e: {  	s2 =	simm.s32 $0xA;
	s3 =	simm.s32 $0x10;
	s13 =	sld [smem:$0x3FC9]  }
0x8f: {  	[smem:s3], [sflag:s2] =	dma.local [hbm:s0], $0x1  }
0x90: {  	_ =	swait.eq [sflag:s2], $0x1  }
0x91: {  	[sflag:s2] =	ssyncset.done $0x0  }
0x92: {  	[sflag:s2] =	ssyncadd.s32 $0xFFFFFFFF  }
0x93: {  	s14 =	sld [smem:$0x10];
	(tm) =	ssettm $0x1  }
0x94: {  	s15 =	sld [smem:$0x3FFB];
	_ =	sdelay $0x3  }
0x95: {  	_ =	strace s15  }
0x96: {  	s2 =	sld [smem:$0x3FFC];
	_ =	sdelay $0x3  }
0x97: {  	_ =	strace s2  }
0x98: {  	s2 =	sld [smem:$0x3FFD];
	_ =	sdelay $0x3  }
0x99: {  	_ =	strace s2  }
0x9a: {  	_ =	strace $0x8FFFFFFF  }
0x9b: {  	s16 =	sld [smem:$0x3FDB];
	_ =	sdelay $0x1  }
0x9c: {  	s17 =	simm.s32 $_scs_section_size  }
0x9d: {  	s4 =	simm.s32 $_size__tile_overlayer_lowered;
	s5 =	simm.s32 $_tile_overlayer_lowered  }
0x9e: {  	s20 =	simm.s32 $0x1BFF;
	s19 =	sshll.u32 s5, $0x1;
	s2 =	sadd.s32 s17, s16  }
0x9f: {  	s6 =	simm.s32 $0x0;
	s18 =	sshll.u32 s4, $0x1;
	s4 =	sadd.s32 s19, s2  }
0xa0: {  	[timem:s6], [sflag:s20] =	dma.local [hbm:s4], s18  }
0xa1: {  	_ =	swait.ge [sflag:s20], s18  }
0xa2: {  	s3 =	ssub.s32 $0x0, s18;
	[sflag:s20] =	ssyncset.done $0x0  }
0xa3: {  	[sflag:s20] =	ssyncadd.s32 s3;
	_ =	sdelay $0x1  }
0xa4: {  	s21 =	simm.s32 $0x1B8B  }
0xa5: {  	_ =	swait.ge [sflag:s21], $0x1  }
0xa6: {  	[sflag:s21] =	ssyncset.done $0x0  }
0xa7: {  	s23 =	simm.s32 $0x1B8E;
	s22 =	sld [smem:$0x3FFE];
	[sflag:s21] =	ssyncadd.s32 $0xFFFFFFFF  }
0xa8: {  	s24 =	simm.s32 $execute0_lowered;
	[smem:$0x3FD2] =	sst s23  }
0xa9: {  	s4 =	sshll.u32 s24, $0x1;
	_ =	strace $0x80000046;
	[dreg:$0x1] =	wrdreg $0xFFFFFFFF  }
0xaa: {  	s25 =	simm.s32 $_size_execute0_lowered;
	s2 =	sadd.s32 s2, s4;
	[dreg:$0x0] =	wrdreg $0x0  }
0xab: {  	s4 =	sshll.u32 s25, $0x1;
	[dreg:$0x2] =	wrdreg s2  }
0xac: {  	[dreg:$0x3] =	wrdreg s4  }
0xad: {  	[dreg:$0x4] =	wrdreg $0xC0  }
0xae: {  	_ =	task [dreg:s6], $0x5FFFF  }
0xaf: {  	[dreg:$0x1] =	wrdreg $0xFFFFFFFF  }
0xb0: {  	[dreg:$0x0] =	wrdreg $0x60  }
0xb1: {  	[dreg:$0x2] =	wrdreg s13  }
0xb2: {  	[dreg:$0x3] =	wrdreg s14  }
0xb3: {  	[dreg:$0x4] =	wrdreg s22  }
0xb4: {  	[dreg:$0x5] =	wrdreg $0x9  }
0xb5: {  	_ =	task.clear_ibuf [dreg:s6], $0x6FFFF;
	_ =	strace $0x90000046  }
0xb6: {  	s26 =	simm.s32 $0x9;
	_ =	strace $0x80000048  }
0xb7: {  	_ =	swait.ge [sflag:s26], $0x1  }
0xb8: {  	[sflag:s26] =	ssyncadd.s32 $0xFFFFFFFF  }
0xb9: {  	_ =	strace $0x90000048  }
0xba: {  	_ =	sfence  }
0xbb: {  	s28 =	sld [smem:$0x0];
	_ =	sdelay $0x1  }
0xbc: {  	s29 =	srdreg.scid  }
0xbd: {  	s30 =	sshll.u32 s29, $0xD;
	s31 =	sshrl.u32 s29, $0x2  }
0xbe: {  	s1 =	sand.u32 $0x1, s29;
	s2 =	sand.u32 $0x4000, s30;
	s0 =	sadd.s32 s31, s28  }
0xbf: {  	s1 =	sor.u32 s2, s1;
	s0 =	sshll.u32 s0, $0x11  }
0xc0: {  	s0 =	sor.u32 s0, s1  }
0xc1: {  	s0 =	sadd.s32 $0x8F2B, s0  }
0xc2: {  	[sflag:s0] =	ssyncadd.remote.s32 $0x1  }
0xc3: {  	_ =	sfence.sel $0xFFFF  }
0xc4: {  	[dreg:$0x0] =	wrdreg $0xFFFFFFFF;
	(pc) =	sbr.abs _section_cstart, $3  }
0xc5: {  	[dreg:$0x1] =	wrdreg $0xFFFFFFFF  }
0xc6: {  	_ =	task.clear_ibuf [dreg:s6], $0x2FFFF;
	_ =	strace $0x9FFFFFFF  }
0xc7: {  	(tm) =	ssettm $0x7FFFFFFF  }
tec
execute0_lowered:
.L_overlay_start_1:
0x0: {  	(tag) =	ssettag $0x1  }
0x1: {  	s5 =	rddreg [dreg:$0x0]  }
0x2: {  	s6 =	rddreg [dreg:$0x1]  }
0x3: {  	s4 =	rddreg [dreg:$0x2]  }
0x4: {  	s0 =	rddreg [dreg:$0x3];
	s2 =	simm.s32 $0x0;
	s1 =	stileid.u32  }
0x5: {  	[smem:$0x7FF] =	sst s2;
	s3 =	sshllo.u32 s1, $0x1;
	s7 =	sshll.u32 s1, $0x5  }
0x6: {  	_ =	strace $0x80000047;
	s8 =	sand.u32 $0x180, s7;
	s9 =	sshll.u32 s3, $0x4  }
0x7: {  	s7 =	sadd.s32 s6, s7;
	s9 =	sand.u32 $0x70, s9;
	s6 =	sadd.s32 s6, s8  }
0x8: {  	[tilespmem:s2], [sflag:$0x1] =	stream.linear.gather [hbm4b:s7+s2], $0x80, $0x38;
	[tilespmem:$0x8100] =	vst v63  }
0x9: {  	s24 =	simm.s32 $0x80;
	s25 =	simm.s32 $0x1;
	s6 =	sadd.s32 s9, s6  }
0xa: {  	[tilespmem:s24], [sflag:$0x2] =	stream.linear.gather [hbm4b:s6+s2], $0x80, $0x38;
	[tilespmem:$0x8100] =	vst v63  }
0xb: {  	_ =	swait.ge [sflag:s25], $0x80  }
0xc: {  	[sflag:s25] =	ssyncset.done $0x0  }
0xd: {  	[sflag:s25] =	ssyncadd.s32 $0xFFFFFF80  }
0xe: {  	v0 =	vld.msk [tilespmem:$0x0], $0xff;
	_ =	sdelay $0x4  }
0xf: {  	v1 =	vshll.u32 v0, $0x3  }
0x10: {  	v2 =	vlaneseq.u32;
	v0 =	vand.u32 $0x7, v0;
	v1 =	vand.u32 $0xFFFFFFC0, v1  }
0x11: {  	v60 =	vand.u32 $0x7, v2;
	v2 =	vshrl.u32 v2, $0x3;
	v0 =	vor.u32 v0, v1  }
0x12: {  	v2 =	vmul.u32 $0x8, v2;
	v0 =	vperm.xlane v0, v60;
	_ =	sdelay $0x1  }
0x13: {  	v0 =	vadd.s32 v2, v0;
	_ =	sdelay $0x3  }
0x14: {  	vm0 =	vmmov $0xffff;
	s6 =	simm.s32 $0x100  }
0x15: {  	[tilespmem:s6], [sflag:$0x3] =	stream.indirect_vreg.gather [hbm4b:s5+s2], $0x80, v0, vm0, $0xb8;
	[tilespmem:$0x8100] =	vst v63  }
0x16: {  	s28 =	simm.s32 $0x900;
	s26 =	sadd.s32 $0x100, s5  }
0x17: {  	[tilespmem:s28], [sflag:$0x3] =	stream.indirect_vreg.gather [hbm4b:s26+s2], $0x80, v0, vm0, $0xb8;
	[tilespmem:$0x8100] =	vst v63  }
0x18: {  	s30 =	simm.s32 $0x1100;
	s29 =	sadd.s32 $0x200, s5  }
0x19: {  	[tilespmem:s30], [sflag:$0x3] =	stream.indirect_vreg.gather [hbm4b:s29+s2], $0x80, v0, vm0, $0xb8;
	[tilespmem:$0x8100] =	vst v63  }
0x1a: {  	s10 =	simm.s32 $0x1900;
	s31 =	sadd.s32 $0x300, s5  }
0x1b: {  	[tilespmem:s10], [sflag:$0x3] =	stream.indirect_vreg.gather [hbm4b:s31+s2], $0x80, v0, vm0, $0xb8;
	[tilespmem:$0x8100] =	vst v63  }
0x1c: {  	v0 =	vld.msk [tilespmem:$0x8], $0xff;
	_ =	sdelay $0x4  }
0x1d: {  	v3 =	vshll.u32 v0, $0x3  }
0x1e: {  	v0 =	vand.u32 $0x7, v0;
	v3 =	vand.u32 $0xFFFFFFC0, v3  }
0x1f: {  	v0 =	vor.u32 v0, v3  }
0x20: {  	v0 =	vperm.xlane v0, v60;
	_ =	sdelay $0x1  }
0x21: {  	v0 =	vadd.s32 v2, v0;
	_ =	sdelay $0x3  }
0x22: {  	s13 =	simm.s32 $0x2100  }
0x23: {  	[tilespmem:s13], [sflag:$0x4] =	stream.indirect_vreg.gather [hbm4b:s5+s2], $0x80, v0, vm0, $0xb8;
	[tilespmem:$0x8100] =	vst v63  }
0x24: {  	s11 =	simm.s32 $0x2900  }
0x25: {  	[tilespmem:s11], [sflag:$0x4] =	stream.indirect_vreg.gather [hbm4b:s26+s2], $0x80, v0, vm0, $0xb8;
	[tilespmem:$0x8100] =	vst v63  }
0x26: {  	s14 =	simm.s32 $0x3100  }
0x27: {  	[tilespmem:s14], [sflag:$0x4] =	stream.indirect_vreg.gather [hbm4b:s29+s2], $0x80, v0, vm0, $0xb8;
	[tilespmem:$0x8100] =	vst v63  }
0x28: {  	s15 =	simm.s32 $0x3900;
	s16 =	simm.s32 $0x2  }
0x29: {  	[tilespmem:s15], [sflag:$0x4] =	stream.indirect_vreg.gather [hbm4b:s31+s2], $0x80, v0, vm0, $0xb8;
	[tilespmem:$0x8100] =	vst v63  }
0x2a: {  	_ =	swait.ge [sflag:s16], $0x80  }
0x2b: {  	[sflag:s16] =	ssyncset.done $0x0  }
0x2c: {  	[sflag:s16] =	ssyncadd.s32 $0xFFFFFF80  }
0x2d: {  	v61 =	vld.msk [tilespmem:$0x80], $0xff;
	_ =	sdelay $0x4  }
0x2e: {  	v62 =	vshll.u32 v61, $0x3  }
0x2f: {  	v0 =	vand.u32 $0x7, v61;
	v3 =	vand.u32 $0xFFFFFFC0, v62  }
0x30: {  	v0 =	vor.u32 v0, v3  }
0x31: {  	v0 =	vperm.xlane v0, v60;
	_ =	sdelay $0x1  }
0x32: {  	v0 =	vadd.s32 v2, v0;
	_ =	sdelay $0x3  }
0x33: {  	s17 =	simm.s32 $0x4100  }
0x34: {  	[tilespmem:s17], [sflag:$0x5] =	stream.indirect_vreg.gather [hbm4b:s5+s2], $0x80, v0, vm0, $0xb8;
	[tilespmem:$0x8100] =	vst v63  }
0x35: {  	s12 =	simm.s32 $0x4900  }
0x36: {  	[tilespmem:s12], [sflag:$0x5] =	stream.indirect_vreg.gather [hbm4b:s26+s2], $0x80, v0, vm0, $0xb8;
	[tilespmem:$0x8100] =	vst v63  }
0x37: {  	s18 =	simm.s32 $0x5100  }
0x38: {  	[tilespmem:s18], [sflag:$0x5] =	stream.indirect_vreg.gather [hbm4b:s29+s2], $0x80, v0, vm0, $0xb8;
	[tilespmem:$0x8100] =	vst v63  }
0x39: {  	s19 =	simm.s32 $0x5900  }
0x3a: {  	[tilespmem:s19], [sflag:$0x5] =	stream.indirect_vreg.gather [hbm4b:s31+s2], $0x80, v0, vm0, $0xb8;
	[tilespmem:$0x8100] =	vst v63  }
0x3b: {  	v0 =	vld.msk [tilespmem:$0x88], $0xff;
	_ =	sdelay $0x4  }
0x3c: {  	v63 =	vshll.u32 v0, $0x3  }
0x3d: {  	v0 =	vand.u32 $0x7, v0;
	v3 =	vand.u32 $0xFFFFFFC0, v63  }
0x3e: {  	v0 =	vor.u32 v0, v3  }
0x3f: {  	v0 =	vperm.xlane v0, v60;
	_ =	sdelay $0x1  }
0x40: {  	v0 =	vadd.s32 v2, v0;
	_ =	sdelay $0x3  }
0x41: {  	s20 =	simm.s32 $0x6100  }
0x42: {  	[tilespmem:s20], [sflag:$0x6] =	stream.indirect_vreg.gather [hbm4b:s5+s2], $0x80, v0, vm0, $0xb8;
	[tilespmem:$0x8100] =	vst v63  }
0x43: {  	s21 =	simm.s32 $0x6900  }
0x44: {  	[tilespmem:s21], [sflag:$0x6] =	stream.indirect_vreg.gather [hbm4b:s26+s2], $0x80, v0, vm0, $0xb8;
	[tilespmem:$0x8100] =	vst v63  }
0x45: {  	s22 =	simm.s32 $0x7100  }
0x46: {  	[tilespmem:s22], [sflag:$0x6] =	stream.indirect_vreg.gather [hbm4b:s29+s2], $0x80, v0, vm0, $0xb8;
	[tilespmem:$0x8100] =	vst v63  }
0x47: {  	s23 =	simm.s32 $0x7900;
	s24 =	simm.s32 $0x3  }
0x48: {  	[tilespmem:s23], [sflag:$0x6] =	stream.indirect_vreg.gather [hbm4b:s31+s2], $0x80, v0, vm0, $0xb8;
	[tilespmem:$0x8100] =	vst v63  }
0x49: {  	_ =	swait.ge [sflag:s24], $0x2000  }
0x4a: {  	s25 =	sadd.s32 $0x1200, s4;
	s26 =	sshll.u32 s1, $0xC;
	[sflag:s24] =	ssyncset.done $0x0  }
0x4b: {  	s28 =	sadd.s32 s25, s26;
	s29 =	simm.s32 $0x4;
	[sflag:s24] =	ssyncadd.s32 $0xFFFFE000  }
0x4c: {  	[hbm4b:s28+s2] =	stream.linear.scatter [tilespmem:s6], [sflag:$0x3], $0x2000, $0x38;
	[tilespmem:$0x8100] =	vst v63  }
0x4d: {  	_ =	swait.ge [sflag:s29], $0x2000  }
0x4e: {  	s4 =	sadd.s32 $0x1600, s4;
	[sflag:s29] =	ssyncset.done $0x0  }
0x4f: {  	s30 =	simm.s32 $0x5;
	s8 =	sadd.s32 s26, s4;
	[sflag:s29] =	ssyncadd.s32 $0xFFFFE000  }
0x50: {  	[hbm4b:s8+s2] =	stream.linear.scatter [tilespmem:s13], [sflag:$0x4], $0x2000, $0x38;
	[tilespmem:$0x8100] =	vst v63  }
0x51: {  	_ =	swait.ge [sflag:s30], $0x2000  }
0x52: {  	s3 =	sshll.u32 s3, $0xB;
	[sflag:s30] =	ssyncset.done $0x0  }
0x53: {  	s7 =	sadd.s32 s25, s3;
	s31 =	simm.s32 $0x6;
	[sflag:s30] =	ssyncadd.s32 $0xFFFFE000  }
0x54: {  	[hbm4b:s7+s2] =	stream.linear.scatter [tilespmem:s17], [sflag:$0x5], $0x2000, $0x38;
	[tilespmem:$0x8100] =	vst v63  }
0x55: {  	_ =	swait.ge [sflag:s31], $0x2000  }
0x56: {  	[sflag:s31] =	ssyncset.done $0x0  }
0x57: {  	s3 =	sadd.s32 s3, s4;
	[sflag:s31] =	ssyncadd.s32 $0xFFFFE000  }
0x58: {  	[hbm4b:s3+s2] =	stream.linear.scatter [tilespmem:s20], [sflag:$0x6], $0x2000, $0x38;
	[tilespmem:$0x8100] =	vst v63  }
0x59: {  	_ =	swait.ge [sflag:s24], $0x2000  }
0x5a: {  	[sflag:s24] =	ssyncset.done $0x0  }
0x5b: {  	[sflag:s24] =	ssyncadd.s32 $0xFFFFE000  }
0x5c: {  	_ =	swait.ge [sflag:s29], $0x2000  }
0x5d: {  	[sflag:s29] =	ssyncset.done $0x0  }
0x5e: {  	[sflag:s29] =	ssyncadd.s32 $0xFFFFE000  }
0x5f: {  	_ =	swait.ge [sflag:s30], $0x2000  }
0x60: {  	[sflag:s30] =	ssyncset.done $0x0  }
0x61: {  	[sflag:s30] =	ssyncadd.s32 $0xFFFFE000  }
0x62: {  	_ =	swait.ge [sflag:s31], $0x2000  }
0x63: {  	[sflag:s31] =	ssyncset.done $0x0  }
0x64: {  	[sflag:s31] =	ssyncadd.s32 $0xFFFFE000  }
0x65: {  	_ =	sfence.sel $0x180000  }
0x66: {  	[bflag:$0x0] =	sbarrier.arrive $0xFFFF  }
0x67: {  	p0 =	sne.s32 s1, $0x0;
	_ =	strace $0x90000047  }
0x68: {  	s0 =	sadd.s32 @!p0 $0x100000, s0;
	[bflag:$0x2] =	sbarrier.arrive $0xFFFF  }
0x69: {  	[sflag:s0] =	ssyncadd.tile.s32 @!p0 $0x1;
	_ =	shalt  }
.Lfunc_end2:
_tile_overlayer_lowered:
.L_overlay_start_2:
0x6a: {  	(tag) =	ssettag $0x2  }
0x6b: {  	s0 =	rddreg [dreg:$0x0];
	s2 =	stileid.u32  }
0x6c: {  	s1 =	rddreg [dreg:$0x1];
	p0 =	sne.s32 s2, $0x0  }
0x6d: {  	s3 =	rddreg [dreg:$0x2];
	[bflag:$0x3] =	sbarrier.arrive $0xFFFF;
	s2 =	simm.s32 @!p0 $0x1C07  }
0x6e: {  	[timem:s3], [sflag:s2] =	dma.local @!p0 [hbm:s0], s1  }
0x6f: {  	s0 =	simm.s32 @!p0 $0x7  }
0x70: {  	_ =	swait.ge @!p0 [sflag:s0], s1  }
0x71: {  	s1 =	ssub.s32 @!p0 $0x0, s1;
	[sflag:s0] =	ssyncset.done @!p0 $0x0  }
0x72: {  	[sflag:s0] =	ssyncadd.s32 @!p0 s1  }
0x73: {  	[bflag:$0x3] =	sbarrier.arrive $0xFFFF  }
0x74: {  	_ =	shalt  }

</sc_bundles>
